<compile_context>
chip_gen: v7x
topology: tpu7x:2x2x1
jax: 0.10.2.dev20260603
libtpu: 0.0.44.dev20260713+nightly
codegen_flags: <defaults>
</compile_context>

<pallas_src>
import functools

import jax
import jax.numpy as jnp
from jax import lax
from jax.experimental import pallas as pl
from jax.experimental.pallas import tpu as pltpu
from jax.experimental.pallas import tpu_sc as plsc


def _make_pool_kernel(B, CTX, D):
    info = plsc.get_sparse_core_info()
    nw = info.num_cores * info.num_subcores
    rw = B // nw
    pw = rw * CTX
    ch = 80
    assert pw % ch == 0 and B % nw == 0
    nch = pw // ch

    mesh = plsc.VectorSubcoreMesh(core_axis_name="c", subcore_axis_name="s")

    @functools.partial(
        pl.kernel,
        out_type=jax.ShapeDtypeStruct((B, D), jnp.float32),
        mesh=mesh,
        compiler_params=pltpu.CompilerParams(use_tc_tiling_on_sc=False),
        scratch_types=[
            pltpu.VMEM((pw,), jnp.int32),
            pltpu.VMEM((pw, D), jnp.float32),
            pltpu.VMEM((rw, D), jnp.float32),
            pltpu.SemaphoreType.DMA,
        ],
    )
    def pool(cw_hbm, table_hbm, avg_hbm, idx_v, rows_v, out_v, sem):
        wid = lax.axis_index("s") * info.num_cores + lax.axis_index("c")
        pltpu.sync_copy(cw_hbm.at[pl.ds(wid * pw, pw)], idx_v)
        copies = [
            pltpu.async_copy(
                table_hbm.at[idx_v.at[pl.ds(c * ch, ch)]],
                rows_v.at[pl.ds(c * ch, ch), :],
                sem,
            )
            for c in range(nch)
        ]
        for cp in copies:
            cp.wait()

        scale = jnp.float32(1.0 / CTX)

        def row_body(r, carry):
            base = r * CTX
            acc = rows_v[base, :]
            for j in range(1, CTX):
                acc = acc + rows_v[base + j, :]
            out_v[r, :] = acc * scale
            return carry

        lax.fori_loop(0, rw, row_body, jnp.int32(0))
        pltpu.sync_copy(out_v, avg_hbm.at[pl.ds(wid * rw, rw), :])

    return pool


def _projection_t(avg, Wt, b2):
    B, D = avg.shape
    V = Wt.shape[1]
    vblk = 2048
    grid = pl.cdiv(V, vblk)

    def body(avg_ref, w_ref, b_ref, out_ref):
        out_ref[:, :] = (
            lax.dot_general(
                w_ref[:, :],
                avg_ref[:, :],
                (((0,), (1,)), ((), ())),
                preferred_element_type=jnp.float32,
            )
            + b_ref[0, :][:, None]
        )

    return pl.pallas_call(
        body,
        grid=(grid,),
        in_specs=[
            pl.BlockSpec((B, D), lambda i: (0, 0)),
            pl.BlockSpec((D, vblk), lambda i: (0, i)),
            pl.BlockSpec((1, vblk), lambda i: (0, i)),
        ],
        out_specs=pl.BlockSpec((vblk, B), lambda i: (i, 0)),
        out_shape=jax.ShapeDtypeStruct((V, B), jnp.float32),
        compiler_params=pltpu.CompilerParams(vmem_limit_bytes=100 * 1024 * 1024),
    )(avg, Wt, b2)


def kernel(context_words, emb_table, W, b):
    B, CTX = context_words.shape
    V, D = W.shape
    cw_flat = context_words.reshape(-1).astype(jnp.int32)
    pool = _make_pool_kernel(B, CTX, D)
    avg = pool(cw_flat, emb_table)
    out_t = _projection_t(avg, W.T, b.reshape(1, V))
    return out_t.T

# --- scband reference (transcript-rebuilt; emitter-appended) ---
"""Pipeline reference for scband-continuous-bag-of-words-48155173323380 (READ-ONLY COPY).

The authoritative reference and input builder live on the scoring server;
editing this copy changes nothing except your own understanding.
"""

import jax, jax.numpy as jnp
import numpy as np

VOCAB = 100000
EMBED_DIM = 16
BATCH = 1024
CTX = 50

def setup_inputs(seed: int = 0) -> dict:
    key = jax.random.key(seed)
    k1, k2, k3, k4 = jax.random.split(key, 4)
    context_words = jax.random.randint(k1, (BATCH, CTX), 0, VOCAB, dtype=jnp.int64 if jax.config.jax_enable_x64 else jnp.int32)
    emb_table = jax.random.normal(k2, (VOCAB, EMBED_DIM), dtype=jnp.float32) * 0.02
    W = jax.random.normal(k3, (VOCAB, EMBED_DIM), dtype=jnp.float32) * 0.02
    b = jax.random.normal(k4, (VOCAB,), dtype=jnp.float32) * 0.02
    return {"context_words": context_words, "emb_table": emb_table, "W": W, "b": b}

def reference(context_words, emb_table, W, b):
    # 1. embedding lookup (gather)
    embedded = jnp.take(emb_table, context_words, axis=0)  # [B, CTX, D]
    # 2. average over context window
    avg_embedded = jnp.mean(embedded, axis=1)              # [B, D]
    # 3. linear projection to vocab logits (torch Linear: x @ W.T + b)
    output = avg_embedded @ W.T + b                        # [B, VOCAB]
    return output

if __name__ == "__main__":
    import jax
    _d = setup_inputs()
    print(jax.jit(kernel)(*tuple(_d.values())))

</pallas_src>

<mosaic_0001>
#map = affine_map<(d0, d1) -> (0)>
#map1 = affine_map<(d0, d1) -> (0, 0)>
module attributes {stable_mosaic.version = 14 : i64} {
  func.func @pool(%arg0: i32, %arg1: i32, %arg2: memref<51200xi32, #tpu.memory_space<hbm>>, %arg3: memref<100000x16xf32, #tpu.memory_space<hbm>>, %arg4: memref<1024x16xf32, #tpu.memory_space<hbm>>, %arg5: memref<1600xi32, #tpu.memory_space<vmem>>, %arg6: memref<1600x16xf32, #tpu.memory_space<vmem>>, %arg7: memref<32x16xf32, #tpu.memory_space<vmem>>, %arg8: memref<!tpu.dma_semaphore, #tpu.memory_space<semaphore_mem>>) attributes {dimension_semantics = [#tpu.dimension_semantics<core_parallel>, #tpu.dimension_semantics<subcore_parallel>], iteration_bounds = array<i64: 2, 16>, scalar_prefetch = 0 : i64, scratch_operands = 4 : i64, tpu.core_type = #tpu.core_type<sc_vector_subcore>, window_params = [{transform_indices = #map}, {transform_indices = #map1}, {transform_indices = #map1}]} {
    %mul3A = arith.constant 2 : i32
    %mul3A_0 = arith.muli %arg1, %mul3A : i32
    %add3A = arith.addi %mul3A_0, %arg0 : i32
    %mul3A_1 = arith.constant 1600 : i32
    %mul3A_2 = arith.muli %add3A, %mul3A_1 : i32
    "tpu.region"() ({
      %run_scoped3A = tpu.sem_alloc : memref<!tpu.dma_semaphore, #tpu.memory_space<semaphore_mem>>
      %dma_start3A_329 = tpu.memref_slice %arg2[%mul3A_2] : memref<51200xi32, #tpu.memory_space<hbm>> -> memref<1600xi32, #tpu.memory_space<hbm>>
      %dma_start3A_330 = tpu.memref_slice %arg2[%mul3A_2] : memref<51200xi32, #tpu.memory_space<hbm>> -> memref<1600xi32, #tpu.memory_space<hbm>>
      tpu.enqueue_dma source(%dma_start3A_330 : memref<1600xi32, #tpu.memory_space<hbm>>) target(%arg5 : memref<1600xi32, #tpu.memory_space<vmem>>) target_semaphore(%run_scoped3A : memref<!tpu.dma_semaphore, #tpu.memory_space<semaphore_mem>>)
      %dma_wait3A_331 = tpu.memref_slice %arg2[%mul3A_2] : memref<51200xi32, #tpu.memory_space<hbm>> -> memref<1600xi32, #tpu.memory_space<hbm>>
      %dma_wait3A_332 = tpu.memref_slice %arg2[%mul3A_2] : memref<51200xi32, #tpu.memory_space<hbm>> -> memref<1600xi32, #tpu.memory_space<hbm>>
      tpu.wait_dma2 semaphore(%run_scoped3A : memref<!tpu.dma_semaphore, #tpu.memory_space<semaphore_mem>>) src(%dma_wait3A_332 : memref<1600xi32, #tpu.memory_space<hbm>>) dst(%arg5 : memref<1600xi32, #tpu.memory_space<vmem>>)
      tpu.yield
    }) : () -> ()
    %dma_start3A = arith.constant 0 : i32
    %dma_start3A_3 = arith.constant 0 : i32
    %dma_start3A_4 = tpu.memref_slice %arg6[%dma_start3A, %dma_start3A_3] : memref<1600x16xf32, #tpu.memory_space<vmem>> -> memref<80x16xf32, #tpu.memory_space<vmem>>
    %dma_start3A_5 = arith.constant 0 : i32
    %dma_start3A_6 = tpu.memref_slice %arg5[%dma_start3A_5] : memref<1600xi32, #tpu.memory_space<vmem>> -> memref<80xi32, #tpu.memory_space<vmem>>
    %dma_start3A_7 = arith.constant 0 : i32
    %dma_start3A_8 = arith.constant 0 : i32
    %dma_start3A_9 = tpu.memref_slice %arg3[%dma_start3A_7, %dma_start3A_8] : memref<100000x16xf32, #tpu.memory_space<hbm>> -> memref<100000x16xf32, #tpu.memory_space<hbm>>
    tpu.enqueue_indirect_dma source(%dma_start3A_9 : memref<100000x16xf32, #tpu.memory_space<hbm>>) target(%dma_start3A_4 : memref<80x16xf32, #tpu.memory_space<vmem>>) offsets(%dma_start3A_6 : memref<80xi32, #tpu.memory_space<vmem>>) semaphore(%arg8 : memref<!tpu.dma_semaphore, #tpu.memory_space<semaphore_mem>>)
    %dma_start3A_10 = arith.constant 80 : i32
    %dma_start3A_11 = arith.constant 0 : i32
    %dma_start3A_12 = tpu.memref_slice %arg6[%dma_start3A_10, %dma_start3A_11] : memref<1600x16xf32, #tpu.memory_space<vmem>> -> memref<80x16xf32, #tpu.memory_space<vmem>>
    %dma_start3A_13 = arith.constant 80 : i32
    %dma_start3A_14 = tpu.memref_slice %arg5[%dma_start3A_13] : memref<1600xi32, #tpu.memory_space<vmem>> -> memref<80xi32, #tpu.memory_space<vmem>>
    %dma_start3A_15 = arith.constant 0 : i32
    %dma_start3A_16 = arith.constant 0 : i32
    %dma_start3A_17 = tpu.memref_slice %arg3[%dma_start3A_15, %dma_start3A_16] : memref<100000x16xf32, #tpu.memory_space<hbm>> -> memref<100000x16xf32, #tpu.memory_space<hbm>>
    tpu.enqueue_indirect_dma source(%dma_start3A_17 : memref<100000x16xf32, #tpu.memory_space<hbm>>) target(%dma_start3A_12 : memref<80x16xf32, #tpu.memory_space<vmem>>) offsets(%dma_start3A_14 : memref<80xi32, #tpu.memory_space<vmem>>) semaphore(%arg8 : memref<!tpu.dma_semaphore, #tpu.memory_space<semaphore_mem>>)
    %dma_start3A_18 = arith.constant 160 : i32
    %dma_start3A_19 = arith.constant 0 : i32
    %dma_start3A_20 = tpu.memref_slice %arg6[%dma_start3A_18, %dma_start3A_19] : memref<1600x16xf32, #tpu.memory_space<vmem>> -> memref<80x16xf32, #tpu.memory_space<vmem>>
    %dma_start3A_21 = arith.constant 160 : i32
    %dma_start3A_22 = tpu.memref_slice %arg5[%dma_start3A_21] : memref<1600xi32, #tpu.memory_space<vmem>> -> memref<80xi32, #tpu.memory_space<vmem>>
    %dma_start3A_23 = arith.constant 0 : i32
    %dma_start3A_24 = arith.constant 0 : i32
    %dma_start3A_25 = tpu.memref_slice %arg3[%dma_start3A_23, %dma_start3A_24] : memref<100000x16xf32, #tpu.memory_space<hbm>> -> memref<100000x16xf32, #tpu.memory_space<hbm>>
    tpu.enqueue_indirect_dma source(%dma_start3A_25 : memref<100000x16xf32, #tpu.memory_space<hbm>>) target(%dma_start3A_20 : memref<80x16xf32, #tpu.memory_space<vmem>>) offsets(%dma_start3A_22 : memref<80xi32, #tpu.memory_space<vmem>>) semaphore(%arg8 : memref<!tpu.dma_semaphore, #tpu.memory_space<semaphore_mem>>)
    %dma_start3A_26 = arith.constant 240 : i32
    %dma_start3A_27 = arith.constant 0 : i32
    %dma_start3A_28 = tpu.memref_slice %arg6[%dma_start3A_26, %dma_start3A_27] : memref<1600x16xf32, #tpu.memory_space<vmem>> -> memref<80x16xf32, #tpu.memory_space<vmem>>
    %dma_start3A_29 = arith.constant 240 : i32
    %dma_start3A_30 = tpu.memref_slice %arg5[%dma_start3A_29] : memref<1600xi32, #tpu.memory_space<vmem>> -> memref<80xi32, #tpu.memory_space<vmem>>
    %dma_start3A_31 = arith.constant 0 : i32
    %dma_start3A_32 = arith.constant 0 : i32
    %dma_start3A_33 = tpu.memref_slice %arg3[%dma_start3A_31, %dma_start3A_32] : memref<100000x16xf32, #tpu.memory_space<hbm>> -> memref<100000x16xf32, #tpu.memory_space<hbm>>
    tpu.enqueue_indirect_dma source(%dma_start3A_33 : memref<100000x16xf32, #tpu.memory_space<hbm>>) target(%dma_start3A_28 : memref<80x16xf32, #tpu.memory_space<vmem>>) offsets(%dma_start3A_30 : memref<80xi32, #tpu.memory_space<vmem>>) semaphore(%arg8 : memref<!tpu.dma_semaphore, #tpu.memory_space<semaphore_mem>>)
    %dma_start3A_34 = arith.constant 320 : i32
    %dma_start3A_35 = arith.constant 0 : i32
    %dma_start3A_36 = tpu.memref_slice %arg6[%dma_start3A_34, %dma_start3A_35] : memref<1600x16xf32, #tpu.memory_space<vmem>> -> memref<80x16xf32, #tpu.memory_space<vmem>>
    %dma_start3A_37 = arith.constant 320 : i32
    %dma_start3A_38 = tpu.memref_slice %arg5[%dma_start3A_37] : memref<1600xi32, #tpu.memory_space<vmem>> -> memref<80xi32, #tpu.memory_space<vmem>>
    %dma_start3A_39 = arith.constant 0 : i32
    %dma_start3A_40 = arith.constant 0 : i32
    %dma_start3A_41 = tpu.memref_slice %arg3[%dma_start3A_39, %dma_start3A_40] : memref<100000x16xf32, #tpu.memory_space<hbm>> -> memref<100000x16xf32, #tpu.memory_space<hbm>>
    tpu.enqueue_indirect_dma source(%dma_start3A_41 : memref<100000x16xf32, #tpu.memory_space<hbm>>) target(%dma_start3A_36 : memref<80x16xf32, #tpu.memory_space<vmem>>) offsets(%dma_start3A_38 : memref<80xi32, #tpu.memory_space<vmem>>) semaphore(%arg8 : memref<!tpu.dma_semaphore, #tpu.memory_space<semaphore_mem>>)
    %dma_start3A_42 = arith.constant 400 : i32
    %dma_start3A_43 = arith.constant 0 : i32
    %dma_start3A_44 = tpu.memref_slice %arg6[%dma_start3A_42, %dma_start3A_43] : memref<1600x16xf32, #tpu.memory_space<vmem>> -> memref<80x16xf32, #tpu.memory_space<vmem>>
    %dma_start3A_45 = arith.constant 400 : i32
    %dma_start3A_46 = tpu.memref_slice %arg5[%dma_start3A_45] : memref<1600xi32, #tpu.memory_space<vmem>> -> memref<80xi32, #tpu.memory_space<vmem>>
    %dma_start3A_47 = arith.constant 0 : i32
    %dma_start3A_48 = arith.constant 0 : i32
    %dma_start3A_49 = tpu.memref_slice %arg3[%dma_start3A_47, %dma_start3A_48] : memref<100000x16xf32, #tpu.memory_space<hbm>> -> memref<100000x16xf32, #tpu.memory_space<hbm>>
    tpu.enqueue_indirect_dma source(%dma_start3A_49 : memref<100000x16xf32, #tpu.memory_space<hbm>>) target(%dma_start3A_44 : memref<80x16xf32, #tpu.memory_space<vmem>>) offsets(%dma_start3A_46 : memref<80xi32, #tpu.memory_space<vmem>>) semaphore(%arg8 : memref<!tpu.dma_semaphore, #tpu.memory_space<semaphore_mem>>)
    %dma_start3A_50 = arith.constant 480 : i32
    %dma_start3A_51 = arith.constant 0 : i32
    %dma_start3A_52 = tpu.memref_slice %arg6[%dma_start3A_50, %dma_start3A_51] : memref<1600x16xf32, #tpu.memory_space<vmem>> -> memref<80x16xf32, #tpu.memory_space<vmem>>
    %dma_start3A_53 = arith.constant 480 : i32
    %dma_start3A_54 = tpu.memref_slice %arg5[%dma_start3A_53] : memref<1600xi32, #tpu.memory_space<vmem>> -> memref<80xi32, #tpu.memory_space<vmem>>
    %dma_start3A_55 = arith.constant 0 : i32
    %dma_start3A_56 = arith.constant 0 : i32
    %dma_start3A_57 = tpu.memref_slice %arg3[%dma_start3A_55, %dma_start3A_56] : memref<100000x16xf32, #tpu.memory_space<hbm>> -> memref<100000x16xf32, #tpu.memory_space<hbm>>
    tpu.enqueue_indirect_dma source(%dma_start3A_57 : memref<100000x16xf32, #tpu.memory_space<hbm>>) target(%dma_start3A_52 : memref<80x16xf32, #tpu.memory_space<vmem>>) offsets(%dma_start3A_54 : memref<80xi32, #tpu.memory_space<vmem>>) semaphore(%arg8 : memref<!tpu.dma_semaphore, #tpu.memory_space<semaphore_mem>>)
    %dma_start3A_58 = arith.constant 560 : i32
    %dma_start3A_59 = arith.constant 0 : i32
    %dma_start3A_60 = tpu.memref_slice %arg6[%dma_start3A_58, %dma_start3A_59] : memref<1600x16xf32, #tpu.memory_space<vmem>> -> memref<80x16xf32, #tpu.memory_space<vmem>>
    %dma_start3A_61 = arith.constant 560 : i32
    %dma_start3A_62 = tpu.memref_slice %arg5[%dma_start3A_61] : memref<1600xi32, #tpu.memory_space<vmem>> -> memref<80xi32, #tpu.memory_space<vmem>>
    %dma_start3A_63 = arith.constant 0 : i32
    %dma_start3A_64 = arith.constant 0 : i32
    %dma_start3A_65 = tpu.memref_slice %arg3[%dma_start3A_63, %dma_start3A_64] : memref<100000x16xf32, #tpu.memory_space<hbm>> -> memref<100000x16xf32, #tpu.memory_space<hbm>>
    tpu.enqueue_indirect_dma source(%dma_start3A_65 : memref<100000x16xf32, #tpu.memory_space<hbm>>) target(%dma_start3A_60 : memref<80x16xf32, #tpu.memory_space<vmem>>) offsets(%dma_start3A_62 : memref<80xi32, #tpu.memory_space<vmem>>) semaphore(%arg8 : memref<!tpu.dma_semaphore, #tpu.memory_space<semaphore_mem>>)
    %dma_start3A_66 = arith.constant 640 : i32
    %dma_start3A_67 = arith.constant 0 : i32
    %dma_start3A_68 = tpu.memref_slice %arg6[%dma_start3A_66, %dma_start3A_67] : memref<1600x16xf32, #tpu.memory_space<vmem>> -> memref<80x16xf32, #tpu.memory_space<vmem>>
    %dma_start3A_69 = arith.constant 640 : i32
    %dma_start3A_70 = tpu.memref_slice %arg5[%dma_start3A_69] : memref<1600xi32, #tpu.memory_space<vmem>> -> memref<80xi32, #tpu.memory_space<vmem>>
    %dma_start3A_71 = arith.constant 0 : i32
    %dma_start3A_72 = arith.constant 0 : i32
    %dma_start3A_73 = tpu.memref_slice %arg3[%dma_start3A_71, %dma_start3A_72] : memref<100000x16xf32, #tpu.memory_space<hbm>> -> memref<100000x16xf32, #tpu.memory_space<hbm>>
    tpu.enqueue_indirect_dma source(%dma_start3A_73 : memref<100000x16xf32, #tpu.memory_space<hbm>>) target(%dma_start3A_68 : memref<80x16xf32, #tpu.memory_space<vmem>>) offsets(%dma_start3A_70 : memref<80xi32, #tpu.memory_space<vmem>>) semaphore(%arg8 : memref<!tpu.dma_semaphore, #tpu.memory_space<semaphore_mem>>)
    %dma_start3A_74 = arith.constant 720 : i32
    %dma_start3A_75 = arith.constant 0 : i32
    %dma_start3A_76 = tpu.memref_slice %arg6[%dma_start3A_74, %dma_start3A_75] : memref<1600x16xf32, #tpu.memory_space<vmem>> -> memref<80x16xf32, #tpu.memory_space<vmem>>
    %dma_start3A_77 = arith.constant 720 : i32
    %dma_start3A_78 = tpu.memref_slice %arg5[%dma_start3A_77] : memref<1600xi32, #tpu.memory_space<vmem>> -> memref<80xi32, #tpu.memory_space<vmem>>
    %dma_start3A_79 = arith.constant 0 : i32
    %dma_start3A_80 = arith.constant 0 : i32
    %dma_start3A_81 = tpu.memref_slice %arg3[%dma_start3A_79, %dma_start3A_80] : memref<100000x16xf32, #tpu.memory_space<hbm>> -> memref<100000x16xf32, #tpu.memory_space<hbm>>
    tpu.enqueue_indirect_dma source(%dma_start3A_81 : memref<100000x16xf32, #tpu.memory_space<hbm>>) target(%dma_start3A_76 : memref<80x16xf32, #tpu.memory_space<vmem>>) offsets(%dma_start3A_78 : memref<80xi32, #tpu.memory_space<vmem>>) semaphore(%arg8 : memref<!tpu.dma_semaphore, #tpu.memory_space<semaphore_mem>>)
    %dma_start3A_82 = arith.constant 800 : i32
    %dma_start3A_83 = arith.constant 0 : i32
    %dma_start3A_84 = tpu.memref_slice %arg6[%dma_start3A_82, %dma_start3A_83] : memref<1600x16xf32, #tpu.memory_space<vmem>> -> memref<80x16xf32, #tpu.memory_space<vmem>>
    %dma_start3A_85 = arith.constant 800 : i32
    %dma_start3A_86 = tpu.memref_slice %arg5[%dma_start3A_85] : memref<1600xi32, #tpu.memory_space<vmem>> -> memref<80xi32, #tpu.memory_space<vmem>>
    %dma_start3A_87 = arith.constant 0 : i32
    %dma_start3A_88 = arith.constant 0 : i32
    %dma_start3A_89 = tpu.memref_slice %arg3[%dma_start3A_87, %dma_start3A_88] : memref<100000x16xf32, #tpu.memory_space<hbm>> -> memref<100000x16xf32, #tpu.memory_space<hbm>>
    tpu.enqueue_indirect_dma source(%dma_start3A_89 : memref<100000x16xf32, #tpu.memory_space<hbm>>) target(%dma_start3A_84 : memref<80x16xf32, #tpu.memory_space<vmem>>) offsets(%dma_start3A_86 : memref<80xi32, #tpu.memory_space<vmem>>) semaphore(%arg8 : memref<!tpu.dma_semaphore, #tpu.memory_space<semaphore_mem>>)
    %dma_start3A_90 = arith.constant 880 : i32
    %dma_start3A_91 = arith.constant 0 : i32
    %dma_start3A_92 = tpu.memref_slice %arg6[%dma_start3A_90, %dma_start3A_91] : memref<1600x16xf32, #tpu.memory_space<vmem>> -> memref<80x16xf32, #tpu.memory_space<vmem>>
    %dma_start3A_93 = arith.constant 880 : i32
    %dma_start3A_94 = tpu.memref_slice %arg5[%dma_start3A_93] : memref<1600xi32, #tpu.memory_space<vmem>> -> memref<80xi32, #tpu.memory_space<vmem>>
    %dma_start3A_95 = arith.constant 0 : i32
    %dma_start3A_96 = arith.constant 0 : i32
    %dma_start3A_97 = tpu.memref_slice %arg3[%dma_start3A_95, %dma_start3A_96] : memref<100000x16xf32, #tpu.memory_space<hbm>> -> memref<100000x16xf32, #tpu.memory_space<hbm>>
    tpu.enqueue_indirect_dma source(%dma_start3A_97 : memref<100000x16xf32, #tpu.memory_space<hbm>>) target(%dma_start3A_92 : memref<80x16xf32, #tpu.memory_space<vmem>>) offsets(%dma_start3A_94 : memref<80xi32, #tpu.memory_space<vmem>>) semaphore(%arg8 : memref<!tpu.dma_semaphore, #tpu.memory_space<semaphore_mem>>)
    %dma_start3A_98 = arith.constant 960 : i32
    %dma_start3A_99 = arith.constant 0 : i32
    %dma_start3A_100 = tpu.memref_slice %arg6[%dma_start3A_98, %dma_start3A_99] : memref<1600x16xf32, #tpu.memory_space<vmem>> -> memref<80x16xf32, #tpu.memory_space<vmem>>
    %dma_start3A_101 = arith.constant 960 : i32
    %dma_start3A_102 = tpu.memref_slice %arg5[%dma_start3A_101] : memref<1600xi32, #tpu.memory_space<vmem>> -> memref<80xi32, #tpu.memory_space<vmem>>
    %dma_start3A_103 = arith.constant 0 : i32
    %dma_start3A_104 = arith.constant 0 : i32
    %dma_start3A_105 = tpu.memref_slice %arg3[%dma_start3A_103, %dma_start3A_104] : memref<100000x16xf32, #tpu.memory_space<hbm>> -> memref<100000x16xf32, #tpu.memory_space<hbm>>
    tpu.enqueue_indirect_dma source(%dma_start3A_105 : memref<100000x16xf32, #tpu.memory_space<hbm>>) target(%dma_start3A_100 : memref<80x16xf32, #tpu.memory_space<vmem>>) offsets(%dma_start3A_102 : memref<80xi32, #tpu.memory_space<vmem>>) semaphore(%arg8 : memref<!tpu.dma_semaphore, #tpu.memory_space<semaphore_mem>>)
    %dma_start3A_106 = arith.constant 1040 : i32
    %dma_start3A_107 = arith.constant 0 : i32
    %dma_start3A_108 = tpu.memref_slice %arg6[%dma_start3A_106, %dma_start3A_107] : memref<1600x16xf32, #tpu.memory_space<vmem>> -> memref<80x16xf32, #tpu.memory_space<vmem>>
    %dma_start3A_109 = arith.constant 1040 : i32
    %dma_start3A_110 = tpu.memref_slice %arg5[%dma_start3A_109] : memref<1600xi32, #tpu.memory_space<vmem>> -> memref<80xi32, #tpu.memory_space<vmem>>
    %dma_start3A_111 = arith.constant 0 : i32
    %dma_start3A_112 = arith.constant 0 : i32
    %dma_start3A_113 = tpu.memref_slice %arg3[%dma_start3A_111, %dma_start3A_112] : memref<100000x16xf32, #tpu.memory_space<hbm>> -> memref<100000x16xf32, #tpu.memory_space<hbm>>
    tpu.enqueue_indirect_dma source(%dma_start3A_113 : memref<100000x16xf32, #tpu.memory_space<hbm>>) target(%dma_start3A_108 : memref<80x16xf32, #tpu.memory_space<vmem>>) offsets(%dma_start3A_110 : memref<80xi32, #tpu.memory_space<vmem>>) semaphore(%arg8 : memref<!tpu.dma_semaphore, #tpu.memory_space<semaphore_mem>>)
    %dma_start3A_114 = arith.constant 1120 : i32
    %dma_start3A_115 = arith.constant 0 : i32
    %dma_start3A_116 = tpu.memref_slice %arg6[%dma_start3A_114, %dma_start3A_115] : memref<1600x16xf32, #tpu.memory_space<vmem>> -> memref<80x16xf32, #tpu.memory_space<vmem>>
    %dma_start3A_117 = arith.constant 1120 : i32
    %dma_start3A_118 = tpu.memref_slice %arg5[%dma_start3A_117] : memref<1600xi32, #tpu.memory_space<vmem>> -> memref<80xi32, #tpu.memory_space<vmem>>
    %dma_start3A_119 = arith.constant 0 : i32
    %dma_start3A_120 = arith.constant 0 : i32
    %dma_start3A_121 = tpu.memref_slice %arg3[%dma_start3A_119, %dma_start3A_120] : memref<100000x16xf32, #tpu.memory_space<hbm>> -> memref<100000x16xf32, #tpu.memory_space<hbm>>
    tpu.enqueue_indirect_dma source(%dma_start3A_121 : memref<100000x16xf32, #tpu.memory_space<hbm>>) target(%dma_start3A_116 : memref<80x16xf32, #tpu.memory_space<vmem>>) offsets(%dma_start3A_118 : memref<80xi32, #tpu.memory_space<vmem>>) semaphore(%arg8 : memref<!tpu.dma_semaphore, #tpu.memory_space<semaphore_mem>>)
    %dma_start3A_122 = arith.constant 1200 : i32
    %dma_start3A_123 = arith.constant 0 : i32
    %dma_start3A_124 = tpu.memref_slice %arg6[%dma_start3A_122, %dma_start3A_123] : memref<1600x16xf32, #tpu.memory_space<vmem>> -> memref<80x16xf32, #tpu.memory_space<vmem>>
    %dma_start3A_125 = arith.constant 1200 : i32
    %dma_start3A_126 = tpu.memref_slice %arg5[%dma_start3A_125] : memref<1600xi32, #tpu.memory_space<vmem>> -> memref<80xi32, #tpu.memory_space<vmem>>
    %dma_start3A_127 = arith.constant 0 : i32
    %dma_start3A_128 = arith.constant 0 : i32
    %dma_start3A_129 = tpu.memref_slice %arg3[%dma_start3A_127, %dma_start3A_128] : memref<100000x16xf32, #tpu.memory_space<hbm>> -> memref<100000x16xf32, #tpu.memory_space<hbm>>
    tpu.enqueue_indirect_dma source(%dma_start3A_129 : memref<100000x16xf32, #tpu.memory_space<hbm>>) target(%dma_start3A_124 : memref<80x16xf32, #tpu.memory_space<vmem>>) offsets(%dma_start3A_126 : memref<80xi32, #tpu.memory_space<vmem>>) semaphore(%arg8 : memref<!tpu.dma_semaphore, #tpu.memory_space<semaphore_mem>>)
    %dma_start3A_130 = arith.constant 1280 : i32
    %dma_start3A_131 = arith.constant 0 : i32
    %dma_start3A_132 = tpu.memref_slice %arg6[%dma_start3A_130, %dma_start3A_131] : memref<1600x16xf32, #tpu.memory_space<vmem>> -> memref<80x16xf32, #tpu.memory_space<vmem>>
    %dma_start3A_133 = arith.constant 1280 : i32
    %dma_start3A_134 = tpu.memref_slice %arg5[%dma_start3A_133] : memref<1600xi32, #tpu.memory_space<vmem>> -> memref<80xi32, #tpu.memory_space<vmem>>
    %dma_start3A_135 = arith.constant 0 : i32
    %dma_start3A_136 = arith.constant 0 : i32
    %dma_start3A_137 = tpu.memref_slice %arg3[%dma_start3A_135, %dma_start3A_136] : memref<100000x16xf32, #tpu.memory_space<hbm>> -> memref<100000x16xf32, #tpu.memory_space<hbm>>
    tpu.enqueue_indirect_dma source(%dma_start3A_137 : memref<100000x16xf32, #tpu.memory_space<hbm>>) target(%dma_start3A_132 : memref<80x16xf32, #tpu.memory_space<vmem>>) offsets(%dma_start3A_134 : memref<80xi32, #tpu.memory_space<vmem>>) semaphore(%arg8 : memref<!tpu.dma_semaphore, #tpu.memory_space<semaphore_mem>>)
    %dma_start3A_138 = arith.constant 1360 : i32
    %dma_start3A_139 = arith.constant 0 : i32
    %dma_start3A_140 = tpu.memref_slice %arg6[%dma_start3A_138, %dma_start3A_139] : memref<1600x16xf32, #tpu.memory_space<vmem>> -> memref<80x16xf32, #tpu.memory_space<vmem>>
    %dma_start3A_141 = arith.constant 1360 : i32
    %dma_start3A_142 = tpu.memref_slice %arg5[%dma_start3A_141] : memref<1600xi32, #tpu.memory_space<vmem>> -> memref<80xi32, #tpu.memory_space<vmem>>
    %dma_start3A_143 = arith.constant 0 : i32
    %dma_start3A_144 = arith.constant 0 : i32
    %dma_start3A_145 = tpu.memref_slice %arg3[%dma_start3A_143, %dma_start3A_144] : memref<100000x16xf32, #tpu.memory_space<hbm>> -> memref<100000x16xf32, #tpu.memory_space<hbm>>
    tpu.enqueue_indirect_dma source(%dma_start3A_145 : memref<100000x16xf32, #tpu.memory_space<hbm>>) target(%dma_start3A_140 : memref<80x16xf32, #tpu.memory_space<vmem>>) offsets(%dma_start3A_142 : memref<80xi32, #tpu.memory_space<vmem>>) semaphore(%arg8 : memref<!tpu.dma_semaphore, #tpu.memory_space<semaphore_mem>>)
    %dma_start3A_146 = arith.constant 1440 : i32
    %dma_start3A_147 = arith.constant 0 : i32
    %dma_start3A_148 = tpu.memref_slice %arg6[%dma_start3A_146, %dma_start3A_147] : memref<1600x16xf32, #tpu.memory_space<vmem>> -> memref<80x16xf32, #tpu.memory_space<vmem>>
    %dma_start3A_149 = arith.constant 1440 : i32
    %dma_start3A_150 = tpu.memref_slice %arg5[%dma_start3A_149] : memref<1600xi32, #tpu.memory_space<vmem>> -> memref<80xi32, #tpu.memory_space<vmem>>
    %dma_start3A_151 = arith.constant 0 : i32
    %dma_start3A_152 = arith.constant 0 : i32
    %dma_start3A_153 = tpu.memref_slice %arg3[%dma_start3A_151, %dma_start3A_152] : memref<100000x16xf32, #tpu.memory_space<hbm>> -> memref<100000x16xf32, #tpu.memory_space<hbm>>
    tpu.enqueue_indirect_dma source(%dma_start3A_153 : memref<100000x16xf32, #tpu.memory_space<hbm>>) target(%dma_start3A_148 : memref<80x16xf32, #tpu.memory_space<vmem>>) offsets(%dma_start3A_150 : memref<80xi32, #tpu.memory_space<vmem>>) semaphore(%arg8 : memref<!tpu.dma_semaphore, #tpu.memory_space<semaphore_mem>>)
    %dma_start3A_154 = arith.constant 1520 : i32
    %dma_start3A_155 = arith.constant 0 : i32
    %dma_start3A_156 = tpu.memref_slice %arg6[%dma_start3A_154, %dma_start3A_155] : memref<1600x16xf32, #tpu.memory_space<vmem>> -> memref<80x16xf32, #tpu.memory_space<vmem>>
    %dma_start3A_157 = arith.constant 1520 : i32
    %dma_start3A_158 = tpu.memref_slice %arg5[%dma_start3A_157] : memref<1600xi32, #tpu.memory_space<vmem>> -> memref<80xi32, #tpu.memory_space<vmem>>
    %dma_start3A_159 = arith.constant 0 : i32
    %dma_start3A_160 = arith.constant 0 : i32
    %dma_start3A_161 = tpu.memref_slice %arg3[%dma_start3A_159, %dma_start3A_160] : memref<100000x16xf32, #tpu.memory_space<hbm>> -> memref<100000x16xf32, #tpu.memory_space<hbm>>
    tpu.enqueue_indirect_dma source(%dma_start3A_161 : memref<100000x16xf32, #tpu.memory_space<hbm>>) target(%dma_start3A_156 : memref<80x16xf32, #tpu.memory_space<vmem>>) offsets(%dma_start3A_158 : memref<80xi32, #tpu.memory_space<vmem>>) semaphore(%arg8 : memref<!tpu.dma_semaphore, #tpu.memory_space<semaphore_mem>>)
    %dma_wait3A = arith.constant 0 : i32
    %dma_wait3A_162 = arith.constant 0 : i32
    %dma_wait3A_163 = tpu.memref_slice %arg6[%dma_wait3A, %dma_wait3A_162] : memref<1600x16xf32, #tpu.memory_space<vmem>> -> memref<80x16xf32, #tpu.memory_space<vmem>>
    %dma_wait3A_164 = arith.constant 0 : i32
    %dma_wait3A_165 = tpu.memref_slice %arg5[%dma_wait3A_164] : memref<1600xi32, #tpu.memory_space<vmem>> -> memref<80xi32, #tpu.memory_space<vmem>>
    %dma_wait3A_166 = arith.constant 0 : i32
    %dma_wait3A_167 = arith.constant 0 : i32
    %dma_wait3A_168 = tpu.memref_slice %arg3[%dma_wait3A_166, %dma_wait3A_167] : memref<100000x16xf32, #tpu.memory_space<hbm>> -> memref<100000x16xf32, #tpu.memory_space<hbm>>
    tpu.wait_indirect_dma semaphore(%arg8 : memref<!tpu.dma_semaphore, #tpu.memory_space<semaphore_mem>>) src(%dma_wait3A_168 : memref<100000x16xf32, #tpu.memory_space<hbm>>) dst(%dma_wait3A_163 : memref<80x16xf32, #tpu.memory_space<vmem>>)
    %dma_wait3A_169 = arith.constant 80 : i32
    %dma_wait3A_170 = arith.constant 0 : i32
    %dma_wait3A_171 = tpu.memref_slice %arg6[%dma_wait3A_169, %dma_wait3A_170] : memref<1600x16xf32, #tpu.memory_space<vmem>> -> memref<80x16xf32, #tpu.memory_space<vmem>>
    %dma_wait3A_172 = arith.constant 80 : i32
    %dma_wait3A_173 = tpu.memref_slice %arg5[%dma_wait3A_172] : memref<1600xi32, #tpu.memory_space<vmem>> -> memref<80xi32, #tpu.memory_space<vmem>>
    %dma_wait3A_174 = arith.constant 0 : i32
    %dma_wait3A_175 = arith.constant 0 : i32
    %dma_wait3A_176 = tpu.memref_slice %arg3[%dma_wait3A_174, %dma_wait3A_175] : memref<100000x16xf32, #tpu.memory_space<hbm>> -> memref<100000x16xf32, #tpu.memory_space<hbm>>
    tpu.wait_indirect_dma semaphore(%arg8 : memref<!tpu.dma_semaphore, #tpu.memory_space<semaphore_mem>>) src(%dma_wait3A_176 : memref<100000x16xf32, #tpu.memory_space<hbm>>) dst(%dma_wait3A_171 : memref<80x16xf32, #tpu.memory_space<vmem>>)
    %dma_wait3A_177 = arith.constant 160 : i32
    %dma_wait3A_178 = arith.constant 0 : i32
    %dma_wait3A_179 = tpu.memref_slice %arg6[%dma_wait3A_177, %dma_wait3A_178] : memref<1600x16xf32, #tpu.memory_space<vmem>> -> memref<80x16xf32, #tpu.memory_space<vmem>>
    %dma_wait3A_180 = arith.constant 160 : i32
    %dma_wait3A_181 = tpu.memref_slice %arg5[%dma_wait3A_180] : memref<1600xi32, #tpu.memory_space<vmem>> -> memref<80xi32, #tpu.memory_space<vmem>>
    %dma_wait3A_182 = arith.constant 0 : i32
    %dma_wait3A_183 = arith.constant 0 : i32
    %dma_wait3A_184 = tpu.memref_slice %arg3[%dma_wait3A_182, %dma_wait3A_183] : memref<100000x16xf32, #tpu.memory_space<hbm>> -> memref<100000x16xf32, #tpu.memory_space<hbm>>
    tpu.wait_indirect_dma semaphore(%arg8 : memref<!tpu.dma_semaphore, #tpu.memory_space<semaphore_mem>>) src(%dma_wait3A_184 : memref<100000x16xf32, #tpu.memory_space<hbm>>) dst(%dma_wait3A_179 : memref<80x16xf32, #tpu.memory_space<vmem>>)
    %dma_wait3A_185 = arith.constant 240 : i32
    %dma_wait3A_186 = arith.constant 0 : i32
    %dma_wait3A_187 = tpu.memref_slice %arg6[%dma_wait3A_185, %dma_wait3A_186] : memref<1600x16xf32, #tpu.memory_space<vmem>> -> memref<80x16xf32, #tpu.memory_space<vmem>>
    %dma_wait3A_188 = arith.constant 240 : i32
    %dma_wait3A_189 = tpu.memref_slice %arg5[%dma_wait3A_188] : memref<1600xi32, #tpu.memory_space<vmem>> -> memref<80xi32, #tpu.memory_space<vmem>>
    %dma_wait3A_190 = arith.constant 0 : i32
    %dma_wait3A_191 = arith.constant 0 : i32
    %dma_wait3A_192 = tpu.memref_slice %arg3[%dma_wait3A_190, %dma_wait3A_191] : memref<100000x16xf32, #tpu.memory_space<hbm>> -> memref<100000x16xf32, #tpu.memory_space<hbm>>
    tpu.wait_indirect_dma semaphore(%arg8 : memref<!tpu.dma_semaphore, #tpu.memory_space<semaphore_mem>>) src(%dma_wait3A_192 : memref<100000x16xf32, #tpu.memory_space<hbm>>) dst(%dma_wait3A_187 : memref<80x16xf32, #tpu.memory_space<vmem>>)
    %dma_wait3A_193 = arith.constant 320 : i32
    %dma_wait3A_194 = arith.constant 0 : i32
    %dma_wait3A_195 = tpu.memref_slice %arg6[%dma_wait3A_193, %dma_wait3A_194] : memref<1600x16xf32, #tpu.memory_space<vmem>> -> memref<80x16xf32, #tpu.memory_space<vmem>>
    %dma_wait3A_196 = arith.constant 320 : i32
    %dma_wait3A_197 = tpu.memref_slice %arg5[%dma_wait3A_196] : memref<1600xi32, #tpu.memory_space<vmem>> -> memref<80xi32, #tpu.memory_space<vmem>>
    %dma_wait3A_198 = arith.constant 0 : i32
    %dma_wait3A_199 = arith.constant 0 : i32
    %dma_wait3A_200 = tpu.memref_slice %arg3[%dma_wait3A_198, %dma_wait3A_199] : memref<100000x16xf32, #tpu.memory_space<hbm>> -> memref<100000x16xf32, #tpu.memory_space<hbm>>
    tpu.wait_indirect_dma semaphore(%arg8 : memref<!tpu.dma_semaphore, #tpu.memory_space<semaphore_mem>>) src(%dma_wait3A_200 : memref<100000x16xf32, #tpu.memory_space<hbm>>) dst(%dma_wait3A_195 : memref<80x16xf32, #tpu.memory_space<vmem>>)
    %dma_wait3A_201 = arith.constant 400 : i32
    %dma_wait3A_202 = arith.constant 0 : i32
    %dma_wait3A_203 = tpu.memref_slice %arg6[%dma_wait3A_201, %dma_wait3A_202] : memref<1600x16xf32, #tpu.memory_space<vmem>> -> memref<80x16xf32, #tpu.memory_space<vmem>>
    %dma_wait3A_204 = arith.constant 400 : i32
    %dma_wait3A_205 = tpu.memref_slice %arg5[%dma_wait3A_204] : memref<1600xi32, #tpu.memory_space<vmem>> -> memref<80xi32, #tpu.memory_space<vmem>>
    %dma_wait3A_206 = arith.constant 0 : i32
    %dma_wait3A_207 = arith.constant 0 : i32
    %dma_wait3A_208 = tpu.memref_slice %arg3[%dma_wait3A_206, %dma_wait3A_207] : memref<100000x16xf32, #tpu.memory_space<hbm>> -> memref<100000x16xf32, #tpu.memory_space<hbm>>
    tpu.wait_indirect_dma semaphore(%arg8 : memref<!tpu.dma_semaphore, #tpu.memory_space<semaphore_mem>>) src(%dma_wait3A_208 : memref<100000x16xf32, #tpu.memory_space<hbm>>) dst(%dma_wait3A_203 : memref<80x16xf32, #tpu.memory_space<vmem>>)
    %dma_wait3A_209 = arith.constant 480 : i32
    %dma_wait3A_210 = arith.constant 0 : i32
    %dma_wait3A_211 = tpu.memref_slice %arg6[%dma_wait3A_209, %dma_wait3A_210] : memref<1600x16xf32, #tpu.memory_space<vmem>> -> memref<80x16xf32, #tpu.memory_space<vmem>>
    %dma_wait3A_212 = arith.constant 480 : i32
    %dma_wait3A_213 = tpu.memref_slice %arg5[%dma_wait3A_212] : memref<1600xi32, #tpu.memory_space<vmem>> -> memref<80xi32, #tpu.memory_space<vmem>>
    %dma_wait3A_214 = arith.constant 0 : i32
    %dma_wait3A_215 = arith.constant 0 : i32
    %dma_wait3A_216 = tpu.memref_slice %arg3[%dma_wait3A_214, %dma_wait3A_215] : memref<100000x16xf32, #tpu.memory_space<hbm>> -> memref<100000x16xf32, #tpu.memory_space<hbm>>
    tpu.wait_indirect_dma semaphore(%arg8 : memref<!tpu.dma_semaphore, #tpu.memory_space<semaphore_mem>>) src(%dma_wait3A_216 : memref<100000x16xf32, #tpu.memory_space<hbm>>) dst(%dma_wait3A_211 : memref<80x16xf32, #tpu.memory_space<vmem>>)
    %dma_wait3A_217 = arith.constant 560 : i32
    %dma_wait3A_218 = arith.constant 0 : i32
    %dma_wait3A_219 = tpu.memref_slice %arg6[%dma_wait3A_217, %dma_wait3A_218] : memref<1600x16xf32, #tpu.memory_space<vmem>> -> memref<80x16xf32, #tpu.memory_space<vmem>>
    %dma_wait3A_220 = arith.constant 560 : i32
    %dma_wait3A_221 = tpu.memref_slice %arg5[%dma_wait3A_220] : memref<1600xi32, #tpu.memory_space<vmem>> -> memref<80xi32, #tpu.memory_space<vmem>>
    %dma_wait3A_222 = arith.constant 0 : i32
    %dma_wait3A_223 = arith.constant 0 : i32
    %dma_wait3A_224 = tpu.memref_slice %arg3[%dma_wait3A_222, %dma_wait3A_223] : memref<100000x16xf32, #tpu.memory_space<hbm>> -> memref<100000x16xf32, #tpu.memory_space<hbm>>
    tpu.wait_indirect_dma semaphore(%arg8 : memref<!tpu.dma_semaphore, #tpu.memory_space<semaphore_mem>>) src(%dma_wait3A_224 : memref<100000x16xf32, #tpu.memory_space<hbm>>) dst(%dma_wait3A_219 : memref<80x16xf32, #tpu.memory_space<vmem>>)
    %dma_wait3A_225 = arith.constant 640 : i32
    %dma_wait3A_226 = arith.constant 0 : i32
    %dma_wait3A_227 = tpu.memref_slice %arg6[%dma_wait3A_225, %dma_wait3A_226] : memref<1600x16xf32, #tpu.memory_space<vmem>> -> memref<80x16xf32, #tpu.memory_space<vmem>>
    %dma_wait3A_228 = arith.constant 640 : i32
    %dma_wait3A_229 = tpu.memref_slice %arg5[%dma_wait3A_228] : memref<1600xi32, #tpu.memory_space<vmem>> -> memref<80xi32, #tpu.memory_space<vmem>>
    %dma_wait3A_230 = arith.constant 0 : i32
    %dma_wait3A_231 = arith.constant 0 : i32
    %dma_wait3A_232 = tpu.memref_slice %arg3[%dma_wait3A_230, %dma_wait3A_231] : memref<100000x16xf32, #tpu.memory_space<hbm>> -> memref<100000x16xf32, #tpu.memory_space<hbm>>
    tpu.wait_indirect_dma semaphore(%arg8 : memref<!tpu.dma_semaphore, #tpu.memory_space<semaphore_mem>>) src(%dma_wait3A_232 : memref<100000x16xf32, #tpu.memory_space<hbm>>) dst(%dma_wait3A_227 : memref<80x16xf32, #tpu.memory_space<vmem>>)
    %dma_wait3A_233 = arith.constant 720 : i32
    %dma_wait3A_234 = arith.constant 0 : i32
    %dma_wait3A_235 = tpu.memref_slice %arg6[%dma_wait3A_233, %dma_wait3A_234] : memref<1600x16xf32, #tpu.memory_space<vmem>> -> memref<80x16xf32, #tpu.memory_space<vmem>>
    %dma_wait3A_236 = arith.constant 720 : i32
    %dma_wait3A_237 = tpu.memref_slice %arg5[%dma_wait3A_236] : memref<1600xi32, #tpu.memory_space<vmem>> -> memref<80xi32, #tpu.memory_space<vmem>>
    %dma_wait3A_238 = arith.constant 0 : i32
    %dma_wait3A_239 = arith.constant 0 : i32
    %dma_wait3A_240 = tpu.memref_slice %arg3[%dma_wait3A_238, %dma_wait3A_239] : memref<100000x16xf32, #tpu.memory_space<hbm>> -> memref<100000x16xf32, #tpu.memory_space<hbm>>
    tpu.wait_indirect_dma semaphore(%arg8 : memref<!tpu.dma_semaphore, #tpu.memory_space<semaphore_mem>>) src(%dma_wait3A_240 : memref<100000x16xf32, #tpu.memory_space<hbm>>) dst(%dma_wait3A_235 : memref<80x16xf32, #tpu.memory_space<vmem>>)
    %dma_wait3A_241 = arith.constant 800 : i32
    %dma_wait3A_242 = arith.constant 0 : i32
    %dma_wait3A_243 = tpu.memref_slice %arg6[%dma_wait3A_241, %dma_wait3A_242] : memref<1600x16xf32, #tpu.memory_space<vmem>> -> memref<80x16xf32, #tpu.memory_space<vmem>>
    %dma_wait3A_244 = arith.constant 800 : i32
    %dma_wait3A_245 = tpu.memref_slice %arg5[%dma_wait3A_244] : memref<1600xi32, #tpu.memory_space<vmem>> -> memref<80xi32, #tpu.memory_space<vmem>>
    %dma_wait3A_246 = arith.constant 0 : i32
    %dma_wait3A_247 = arith.constant 0 : i32
    %dma_wait3A_248 = tpu.memref_slice %arg3[%dma_wait3A_246, %dma_wait3A_247] : memref<100000x16xf32, #tpu.memory_space<hbm>> -> memref<100000x16xf32, #tpu.memory_space<hbm>>
    tpu.wait_indirect_dma semaphore(%arg8 : memref<!tpu.dma_semaphore, #tpu.memory_space<semaphore_mem>>) src(%dma_wait3A_248 : memref<100000x16xf32, #tpu.memory_space<hbm>>) dst(%dma_wait3A_243 : memref<80x16xf32, #tpu.memory_space<vmem>>)
    %dma_wait3A_249 = arith.constant 880 : i32
    %dma_wait3A_250 = arith.constant 0 : i32
    %dma_wait3A_251 = tpu.memref_slice %arg6[%dma_wait3A_249, %dma_wait3A_250] : memref<1600x16xf32, #tpu.memory_space<vmem>> -> memref<80x16xf32, #tpu.memory_space<vmem>>
    %dma_wait3A_252 = arith.constant 880 : i32
    %dma_wait3A_253 = tpu.memref_slice %arg5[%dma_wait3A_252] : memref<1600xi32, #tpu.memory_space<vmem>> -> memref<80xi32, #tpu.memory_space<vmem>>
    %dma_wait3A_254 = arith.constant 0 : i32
    %dma_wait3A_255 = arith.constant 0 : i32
    %dma_wait3A_256 = tpu.memref_slice %arg3[%dma_wait3A_254, %dma_wait3A_255] : memref<100000x16xf32, #tpu.memory_space<hbm>> -> memref<100000x16xf32, #tpu.memory_space<hbm>>
    tpu.wait_indirect_dma semaphore(%arg8 : memref<!tpu.dma_semaphore, #tpu.memory_space<semaphore_mem>>) src(%dma_wait3A_256 : memref<100000x16xf32, #tpu.memory_space<hbm>>) dst(%dma_wait3A_251 : memref<80x16xf32, #tpu.memory_space<vmem>>)
    %dma_wait3A_257 = arith.constant 960 : i32
    %dma_wait3A_258 = arith.constant 0 : i32
    %dma_wait3A_259 = tpu.memref_slice %arg6[%dma_wait3A_257, %dma_wait3A_258] : memref<1600x16xf32, #tpu.memory_space<vmem>> -> memref<80x16xf32, #tpu.memory_space<vmem>>
    %dma_wait3A_260 = arith.constant 960 : i32
    %dma_wait3A_261 = tpu.memref_slice %arg5[%dma_wait3A_260] : memref<1600xi32, #tpu.memory_space<vmem>> -> memref<80xi32, #tpu.memory_space<vmem>>
    %dma_wait3A_262 = arith.constant 0 : i32
    %dma_wait3A_263 = arith.constant 0 : i32
    %dma_wait3A_264 = tpu.memref_slice %arg3[%dma_wait3A_262, %dma_wait3A_263] : memref<100000x16xf32, #tpu.memory_space<hbm>> -> memref<100000x16xf32, #tpu.memory_space<hbm>>
    tpu.wait_indirect_dma semaphore(%arg8 : memref<!tpu.dma_semaphore, #tpu.memory_space<semaphore_mem>>) src(%dma_wait3A_264 : memref<100000x16xf32, #tpu.memory_space<hbm>>) dst(%dma_wait3A_259 : memref<80x16xf32, #tpu.memory_space<vmem>>)
    %dma_wait3A_265 = arith.constant 1040 : i32
    %dma_wait3A_266 = arith.constant 0 : i32
    %dma_wait3A_267 = tpu.memref_slice %arg6[%dma_wait3A_265, %dma_wait3A_266] : memref<1600x16xf32, #tpu.memory_space<vmem>> -> memref<80x16xf32, #tpu.memory_space<vmem>>
    %dma_wait3A_268 = arith.constant 1040 : i32
    %dma_wait3A_269 = tpu.memref_slice %arg5[%dma_wait3A_268] : memref<1600xi32, #tpu.memory_space<vmem>> -> memref<80xi32, #tpu.memory_space<vmem>>
    %dma_wait3A_270 = arith.constant 0 : i32
    %dma_wait3A_271 = arith.constant 0 : i32
    %dma_wait3A_272 = tpu.memref_slice %arg3[%dma_wait3A_270, %dma_wait3A_271] : memref<100000x16xf32, #tpu.memory_space<hbm>> -> memref<100000x16xf32, #tpu.memory_space<hbm>>
    tpu.wait_indirect_dma semaphore(%arg8 : memref<!tpu.dma_semaphore, #tpu.memory_space<semaphore_mem>>) src(%dma_wait3A_272 : memref<100000x16xf32, #tpu.memory_space<hbm>>) dst(%dma_wait3A_267 : memref<80x16xf32, #tpu.memory_space<vmem>>)
    %dma_wait3A_273 = arith.constant 1120 : i32
    %dma_wait3A_274 = arith.constant 0 : i32
    %dma_wait3A_275 = tpu.memref_slice %arg6[%dma_wait3A_273, %dma_wait3A_274] : memref<1600x16xf32, #tpu.memory_space<vmem>> -> memref<80x16xf32, #tpu.memory_space<vmem>>
    %dma_wait3A_276 = arith.constant 1120 : i32
    %dma_wait3A_277 = tpu.memref_slice %arg5[%dma_wait3A_276] : memref<1600xi32, #tpu.memory_space<vmem>> -> memref<80xi32, #tpu.memory_space<vmem>>
    %dma_wait3A_278 = arith.constant 0 : i32
    %dma_wait3A_279 = arith.constant 0 : i32
    %dma_wait3A_280 = tpu.memref_slice %arg3[%dma_wait3A_278, %dma_wait3A_279] : memref<100000x16xf32, #tpu.memory_space<hbm>> -> memref<100000x16xf32, #tpu.memory_space<hbm>>
    tpu.wait_indirect_dma semaphore(%arg8 : memref<!tpu.dma_semaphore, #tpu.memory_space<semaphore_mem>>) src(%dma_wait3A_280 : memref<100000x16xf32, #tpu.memory_space<hbm>>) dst(%dma_wait3A_275 : memref<80x16xf32, #tpu.memory_space<vmem>>)
    %dma_wait3A_281 = arith.constant 1200 : i32
    %dma_wait3A_282 = arith.constant 0 : i32
    %dma_wait3A_283 = tpu.memref_slice %arg6[%dma_wait3A_281, %dma_wait3A_282] : memref<1600x16xf32, #tpu.memory_space<vmem>> -> memref<80x16xf32, #tpu.memory_space<vmem>>
    %dma_wait3A_284 = arith.constant 1200 : i32
    %dma_wait3A_285 = tpu.memref_slice %arg5[%dma_wait3A_284] : memref<1600xi32, #tpu.memory_space<vmem>> -> memref<80xi32, #tpu.memory_space<vmem>>
    %dma_wait3A_286 = arith.constant 0 : i32
    %dma_wait3A_287 = arith.constant 0 : i32
    %dma_wait3A_288 = tpu.memref_slice %arg3[%dma_wait3A_286, %dma_wait3A_287] : memref<100000x16xf32, #tpu.memory_space<hbm>> -> memref<100000x16xf32, #tpu.memory_space<hbm>>
    tpu.wait_indirect_dma semaphore(%arg8 : memref<!tpu.dma_semaphore, #tpu.memory_space<semaphore_mem>>) src(%dma_wait3A_288 : memref<100000x16xf32, #tpu.memory_space<hbm>>) dst(%dma_wait3A_283 : memref<80x16xf32, #tpu.memory_space<vmem>>)
    %dma_wait3A_289 = arith.constant 1280 : i32
    %dma_wait3A_290 = arith.constant 0 : i32
    %dma_wait3A_291 = tpu.memref_slice %arg6[%dma_wait3A_289, %dma_wait3A_290] : memref<1600x16xf32, #tpu.memory_space<vmem>> -> memref<80x16xf32, #tpu.memory_space<vmem>>
    %dma_wait3A_292 = arith.constant 1280 : i32
    %dma_wait3A_293 = tpu.memref_slice %arg5[%dma_wait3A_292] : memref<1600xi32, #tpu.memory_space<vmem>> -> memref<80xi32, #tpu.memory_space<vmem>>
    %dma_wait3A_294 = arith.constant 0 : i32
    %dma_wait3A_295 = arith.constant 0 : i32
    %dma_wait3A_296 = tpu.memref_slice %arg3[%dma_wait3A_294, %dma_wait3A_295] : memref<100000x16xf32, #tpu.memory_space<hbm>> -> memref<100000x16xf32, #tpu.memory_space<hbm>>
    tpu.wait_indirect_dma semaphore(%arg8 : memref<!tpu.dma_semaphore, #tpu.memory_space<semaphore_mem>>) src(%dma_wait3A_296 : memref<100000x16xf32, #tpu.memory_space<hbm>>) dst(%dma_wait3A_291 : memref<80x16xf32, #tpu.memory_space<vmem>>)
    %dma_wait3A_297 = arith.constant 1360 : i32
    %dma_wait3A_298 = arith.constant 0 : i32
    %dma_wait3A_299 = tpu.memref_slice %arg6[%dma_wait3A_297, %dma_wait3A_298] : memref<1600x16xf32, #tpu.memory_space<vmem>> -> memref<80x16xf32, #tpu.memory_space<vmem>>
    %dma_wait3A_300 = arith.constant 1360 : i32
    %dma_wait3A_301 = tpu.memref_slice %arg5[%dma_wait3A_300] : memref<1600xi32, #tpu.memory_space<vmem>> -> memref<80xi32, #tpu.memory_space<vmem>>
    %dma_wait3A_302 = arith.constant 0 : i32
    %dma_wait3A_303 = arith.constant 0 : i32
    %dma_wait3A_304 = tpu.memref_slice %arg3[%dma_wait3A_302, %dma_wait3A_303] : memref<100000x16xf32, #tpu.memory_space<hbm>> -> memref<100000x16xf32, #tpu.memory_space<hbm>>
    tpu.wait_indirect_dma semaphore(%arg8 : memref<!tpu.dma_semaphore, #tpu.memory_space<semaphore_mem>>) src(%dma_wait3A_304 : memref<100000x16xf32, #tpu.memory_space<hbm>>) dst(%dma_wait3A_299 : memref<80x16xf32, #tpu.memory_space<vmem>>)
    %dma_wait3A_305 = arith.constant 1440 : i32
    %dma_wait3A_306 = arith.constant 0 : i32
    %dma_wait3A_307 = tpu.memref_slice %arg6[%dma_wait3A_305, %dma_wait3A_306] : memref<1600x16xf32, #tpu.memory_space<vmem>> -> memref<80x16xf32, #tpu.memory_space<vmem>>
    %dma_wait3A_308 = arith.constant 1440 : i32
    %dma_wait3A_309 = tpu.memref_slice %arg5[%dma_wait3A_308] : memref<1600xi32, #tpu.memory_space<vmem>> -> memref<80xi32, #tpu.memory_space<vmem>>
    %dma_wait3A_310 = arith.constant 0 : i32
    %dma_wait3A_311 = arith.constant 0 : i32
    %dma_wait3A_312 = tpu.memref_slice %arg3[%dma_wait3A_310, %dma_wait3A_311] : memref<100000x16xf32, #tpu.memory_space<hbm>> -> memref<100000x16xf32, #tpu.memory_space<hbm>>
    tpu.wait_indirect_dma semaphore(%arg8 : memref<!tpu.dma_semaphore, #tpu.memory_space<semaphore_mem>>) src(%dma_wait3A_312 : memref<100000x16xf32, #tpu.memory_space<hbm>>) dst(%dma_wait3A_307 : memref<80x16xf32, #tpu.memory_space<vmem>>)
    %dma_wait3A_313 = arith.constant 1520 : i32
    %dma_wait3A_314 = arith.constant 0 : i32
    %dma_wait3A_315 = tpu.memref_slice %arg6[%dma_wait3A_313, %dma_wait3A_314] : memref<1600x16xf32, #tpu.memory_space<vmem>> -> memref<80x16xf32, #tpu.memory_space<vmem>>
    %dma_wait3A_316 = arith.constant 1520 : i32
    %dma_wait3A_317 = tpu.memref_slice %arg5[%dma_wait3A_316] : memref<1600xi32, #tpu.memory_space<vmem>> -> memref<80xi32, #tpu.memory_space<vmem>>
    %dma_wait3A_318 = arith.constant 0 : i32
    %dma_wait3A_319 = arith.constant 0 : i32
    %dma_wait3A_320 = tpu.memref_slice %arg3[%dma_wait3A_318, %dma_wait3A_319] : memref<100000x16xf32, #tpu.memory_space<hbm>> -> memref<100000x16xf32, #tpu.memory_space<hbm>>
    tpu.wait_indirect_dma semaphore(%arg8 : memref<!tpu.dma_semaphore, #tpu.memory_space<semaphore_mem>>) src(%dma_wait3A_320 : memref<100000x16xf32, #tpu.memory_space<hbm>>) dst(%dma_wait3A_315 : memref<80x16xf32, #tpu.memory_space<vmem>>)
    %scan3A = arith.constant 0 : i32
    %scan3A_321 = arith.constant 2.000000e-02 : f32
    %scan3A_322 = arith.constant 0 : i32
    %scan3A_323 = arith.constant 32 : i32
    %scan3A_324 = arith.addi %scan3A_322, %scan3A_323 : i32
    %scan3A_325 = arith.constant 1 : i32
    scf.for %scan3A_329 = %scan3A_322 to %scan3A_324 step %scan3A_325  : i32 {
      %mul3A_330 = arith.constant 50 : i32
      %mul3A_331 = arith.muli %scan3A_329, %mul3A_330 : i32
      %get3A = arith.index_cast %mul3A_331 : i32 to index
      %get3A_332 = arith.constant 0 : index
      %get3A_333 = tpu.vector_load %arg6[%get3A, %get3A_332] {strides = array<i32>} : memref<1600x16xf32, #tpu.memory_space<vmem>>, vector<1x16xf32>,
      %get3A_334 = vector.shape_cast %get3A_333 : vector<1x16xf32> to vector<16xf32>
      %add3A_335 = arith.constant 1 : i32
      %add3A_336 = arith.addi %mul3A_331, %add3A_335 : i32
      %get3A_337 = arith.index_cast %add3A_336 : i32 to index
      %get3A_338 = arith.constant 0 : index
      %get3A_339 = tpu.vector_load %arg6[%get3A_337, %get3A_338] {strides = array<i32>} : memref<1600x16xf32, #tpu.memory_space<vmem>>, vector<1x16xf32>,
      %get3A_340 = vector.shape_cast %get3A_339 : vector<1x16xf32> to vector<16xf32>
      %add3A_341 = arith.addf %get3A_334, %get3A_340 : vector<16xf32>
      %add3A_342 = arith.constant 2 : i32
      %add3A_343 = arith.addi %mul3A_331, %add3A_342 : i32
      %get3A_344 = arith.index_cast %add3A_343 : i32 to index
      %get3A_345 = arith.constant 0 : index
      %get3A_346 = tpu.vector_load %arg6[%get3A_344, %get3A_345] {strides = array<i32>} : memref<1600x16xf32, #tpu.memory_space<vmem>>, vector<1x16xf32>,
      %get3A_347 = vector.shape_cast %get3A_346 : vector<1x16xf32> to vector<16xf32>
      %add3A_348 = arith.addf %add3A_341, %get3A_347 : vector<16xf32>
      %add3A_349 = arith.constant 3 : i32
      %add3A_350 = arith.addi %mul3A_331, %add3A_349 : i32
      %get3A_351 = arith.index_cast %add3A_350 : i32 to index
      %get3A_352 = arith.constant 0 : index
      %get3A_353 = tpu.vector_load %arg6[%get3A_351, %get3A_352] {strides = array<i32>} : memref<1600x16xf32, #tpu.memory_space<vmem>>, vector<1x16xf32>,
      %get3A_354 = vector.shape_cast %get3A_353 : vector<1x16xf32> to vector<16xf32>
      %add3A_355 = arith.addf %add3A_348, %get3A_354 : vector<16xf32>
      %add3A_356 = arith.constant 4 : i32
      %add3A_357 = arith.addi %mul3A_331, %add3A_356 : i32
      %get3A_358 = arith.index_cast %add3A_357 : i32 to index
      %get3A_359 = arith.constant 0 : index
      %get3A_360 = tpu.vector_load %arg6[%get3A_358, %get3A_359] {strides = array<i32>} : memref<1600x16xf32, #tpu.memory_space<vmem>>, vector<1x16xf32>,
      %get3A_361 = vector.shape_cast %get3A_360 : vector<1x16xf32> to vector<16xf32>
      %add3A_362 = arith.addf %add3A_355, %get3A_361 : vector<16xf32>
      %add3A_363 = arith.constant 5 : i32
      %add3A_364 = arith.addi %mul3A_331, %add3A_363 : i32
      %get3A_365 = arith.index_cast %add3A_364 : i32 to index
      %get3A_366 = arith.constant 0 : index
      %get3A_367 = tpu.vector_load %arg6[%get3A_365, %get3A_366] {strides = array<i32>} : memref<1600x16xf32, #tpu.memory_space<vmem>>, vector<1x16xf32>,
      %get3A_368 = vector.shape_cast %get3A_367 : vector<1x16xf32> to vector<16xf32>
      %add3A_369 = arith.addf %add3A_362, %get3A_368 : vector<16xf32>
      %add3A_370 = arith.constant 6 : i32
      %add3A_371 = arith.addi %mul3A_331, %add3A_370 : i32
      %get3A_372 = arith.index_cast %add3A_371 : i32 to index
      %get3A_373 = arith.constant 0 : index
      %get3A_374 = tpu.vector_load %arg6[%get3A_372, %get3A_373] {strides = array<i32>} : memref<1600x16xf32, #tpu.memory_space<vmem>>, vector<1x16xf32>,
      %get3A_375 = vector.shape_cast %get3A_374 : vector<1x16xf32> to vector<16xf32>
      %add3A_376 = arith.addf %add3A_369, %get3A_375 : vector<16xf32>
      %add3A_377 = arith.constant 7 : i32
      %add3A_378 = arith.addi %mul3A_331, %add3A_377 : i32
      %get3A_379 = arith.index_cast %add3A_378 : i32 to index
      %get3A_380 = arith.constant 0 : index
      %get3A_381 = tpu.vector_load %arg6[%get3A_379, %get3A_380] {strides = array<i32>} : memref<1600x16xf32, #tpu.memory_space<vmem>>, vector<1x16xf32>,
      %get3A_382 = vector.shape_cast %get3A_381 : vector<1x16xf32> to vector<16xf32>
      %add3A_383 = arith.addf %add3A_376, %get3A_382 : vector<16xf32>
      %add3A_384 = arith.constant 8 : i32
      %add3A_385 = arith.addi %mul3A_331, %add3A_384 : i32
      %get3A_386 = arith.index_cast %add3A_385 : i32 to index
      %get3A_387 = arith.constant 0 : index
      %get3A_388 = tpu.vector_load %arg6[%get3A_386, %get3A_387] {strides = array<i32>} : memref<1600x16xf32, #tpu.memory_space<vmem>>, vector<1x16xf32>,
      %get3A_389 = vector.shape_cast %get3A_388 : vector<1x16xf32> to vector<16xf32>
      %add3A_390 = arith.addf %add3A_383, %get3A_389 : vector<16xf32>
      %add3A_391 = arith.constant 9 : i32
      %add3A_392 = arith.addi %mul3A_331, %add3A_391 : i32
      %get3A_393 = arith.index_cast %add3A_392 : i32 to index
      %get3A_394 = arith.constant 0 : index
      %get3A_395 = tpu.vector_load %arg6[%get3A_393, %get3A_394] {strides = array<i32>} : memref<1600x16xf32, #tpu.memory_space<vmem>>, vector<1x16xf32>,
      %get3A_396 = vector.shape_cast %get3A_395 : vector<1x16xf32> to vector<16xf32>
      %add3A_397 = arith.addf %add3A_390, %get3A_396 : vector<16xf32>
      %add3A_398 = arith.constant 10 : i32
      %add3A_399 = arith.addi %mul3A_331, %add3A_398 : i32
      %get3A_400 = arith.index_cast %add3A_399 : i32 to index
      %get3A_401 = arith.constant 0 : index
      %get3A_402 = tpu.vector_load %arg6[%get3A_400, %get3A_401] {strides = array<i32>} : memref<1600x16xf32, #tpu.memory_space<vmem>>, vector<1x16xf32>,
      %get3A_403 = vector.shape_cast %get3A_402 : vector<1x16xf32> to vector<16xf32>
      %add3A_404 = arith.addf %add3A_397, %get3A_403 : vector<16xf32>
      %add3A_405 = arith.constant 11 : i32
      %add3A_406 = arith.addi %mul3A_331, %add3A_405 : i32
      %get3A_407 = arith.index_cast %add3A_406 : i32 to index
      %get3A_408 = arith.constant 0 : index
      %get3A_409 = tpu.vector_load %arg6[%get3A_407, %get3A_408] {strides = array<i32>} : memref<1600x16xf32, #tpu.memory_space<vmem>>, vector<1x16xf32>,
      %get3A_410 = vector.shape_cast %get3A_409 : vector<1x16xf32> to vector<16xf32>
      %add3A_411 = arith.addf %add3A_404, %get3A_410 : vector<16xf32>
      %add3A_412 = arith.constant 12 : i32
      %add3A_413 = arith.addi %mul3A_331, %add3A_412 : i32
      %get3A_414 = arith.index_cast %add3A_413 : i32 to index
      %get3A_415 = arith.constant 0 : index
      %get3A_416 = tpu.vector_load %arg6[%get3A_414, %get3A_415] {strides = array<i32>} : memref<1600x16xf32, #tpu.memory_space<vmem>>, vector<1x16xf32>,
      %get3A_417 = vector.shape_cast %get3A_416 : vector<1x16xf32> to vector<16xf32>
      %add3A_418 = arith.addf %add3A_411, %get3A_417 : vector<16xf32>
      %add3A_419 = arith.constant 13 : i32
      %add3A_420 = arith.addi %mul3A_331, %add3A_419 : i32
      %get3A_421 = arith.index_cast %add3A_420 : i32 to index
      %get3A_422 = arith.constant 0 : index
      %get3A_423 = tpu.vector_load %arg6[%get3A_421, %get3A_422] {strides = array<i32>} : memref<1600x16xf32, #tpu.memory_space<vmem>>, vector<1x16xf32>,
      %get3A_424 = vector.shape_cast %get3A_423 : vector<1x16xf32> to vector<16xf32>
      %add3A_425 = arith.addf %add3A_418, %get3A_424 : vector<16xf32>
      %add3A_426 = arith.constant 14 : i32
      %add3A_427 = arith.addi %mul3A_331, %add3A_426 : i32
      %get3A_428 = arith.index_cast %add3A_427 : i32 to index
      %get3A_429 = arith.constant 0 : index
      %get3A_430 = tpu.vector_load %arg6[%get3A_428, %get3A_429] {strides = array<i32>} : memref<1600x16xf32, #tpu.memory_space<vmem>>, vector<1x16xf32>,
      %get3A_431 = vector.shape_cast %get3A_430 : vector<1x16xf32> to vector<16xf32>
      %add3A_432 = arith.addf %add3A_425, %get3A_431 : vector<16xf32>
      %add3A_433 = arith.constant 15 : i32
      %add3A_434 = arith.addi %mul3A_331, %add3A_433 : i32
      %get3A_435 = arith.index_cast %add3A_434 : i32 to index
      %get3A_436 = arith.constant 0 : index
      %get3A_437 = tpu.vector_load %arg6[%get3A_435, %get3A_436] {strides = array<i32>} : memref<1600x16xf32, #tpu.memory_space<vmem>>, vector<1x16xf32>,
      %get3A_438 = vector.shape_cast %get3A_437 : vector<1x16xf32> to vector<16xf32>
      %add3A_439 = arith.addf %add3A_432, %get3A_438 : vector<16xf32>
      %add3A_440 = arith.constant 16 : i32
      %add3A_441 = arith.addi %mul3A_331, %add3A_440 : i32
      %get3A_442 = arith.index_cast %add3A_441 : i32 to index
      %get3A_443 = arith.constant 0 : index
      %get3A_444 = tpu.vector_load %arg6[%get3A_442, %get3A_443] {strides = array<i32>} : memref<1600x16xf32, #tpu.memory_space<vmem>>, vector<1x16xf32>,
      %get3A_445 = vector.shape_cast %get3A_444 : vector<1x16xf32> to vector<16xf32>
      %add3A_446 = arith.addf %add3A_439, %get3A_445 : vector<16xf32>
      %add3A_447 = arith.constant 17 : i32
      %add3A_448 = arith.addi %mul3A_331, %add3A_447 : i32
      %get3A_449 = arith.index_cast %add3A_448 : i32 to index
      %get3A_450 = arith.constant 0 : index
      %get3A_451 = tpu.vector_load %arg6[%get3A_449, %get3A_450] {strides = array<i32>} : memref<1600x16xf32, #tpu.memory_space<vmem>>, vector<1x16xf32>,
      %get3A_452 = vector.shape_cast %get3A_451 : vector<1x16xf32> to vector<16xf32>
      %add3A_453 = arith.addf %add3A_446, %get3A_452 : vector<16xf32>
      %add3A_454 = arith.constant 18 : i32
      %add3A_455 = arith.addi %mul3A_331, %add3A_454 : i32
      %get3A_456 = arith.index_cast %add3A_455 : i32 to index
      %get3A_457 = arith.constant 0 : index
      %get3A_458 = tpu.vector_load %arg6[%get3A_456, %get3A_457] {strides = array<i32>} : memref<1600x16xf32, #tpu.memory_space<vmem>>, vector<1x16xf32>,
      %get3A_459 = vector.shape_cast %get3A_458 : vector<1x16xf32> to vector<16xf32>
      %add3A_460 = arith.addf %add3A_453, %get3A_459 : vector<16xf32>
      %add3A_461 = arith.constant 19 : i32
      %add3A_462 = arith.addi %mul3A_331, %add3A_461 : i32
      %get3A_463 = arith.index_cast %add3A_462 : i32 to index
      %get3A_464 = arith.constant 0 : index
      %get3A_465 = tpu.vector_load %arg6[%get3A_463, %get3A_464] {strides = array<i32>} : memref<1600x16xf32, #tpu.memory_space<vmem>>, vector<1x16xf32>,
      %get3A_466 = vector.shape_cast %get3A_465 : vector<1x16xf32> to vector<16xf32>
      %add3A_467 = arith.addf %add3A_460, %get3A_466 : vector<16xf32>
      %add3A_468 = arith.constant 20 : i32
      %add3A_469 = arith.addi %mul3A_331, %add3A_468 : i32
      %get3A_470 = arith.index_cast %add3A_469 : i32 to index
      %get3A_471 = arith.constant 0 : index
      %get3A_472 = tpu.vector_load %arg6[%get3A_470, %get3A_471] {strides = array<i32>} : memref<1600x16xf32, #tpu.memory_space<vmem>>, vector<1x16xf32>,
      %get3A_473 = vector.shape_cast %get3A_472 : vector<1x16xf32> to vector<16xf32>
      %add3A_474 = arith.addf %add3A_467, %get3A_473 : vector<16xf32>
      %add3A_475 = arith.constant 21 : i32
      %add3A_476 = arith.addi %mul3A_331, %add3A_475 : i32
      %get3A_477 = arith.index_cast %add3A_476 : i32 to index
      %get3A_478 = arith.constant 0 : index
      %get3A_479 = tpu.vector_load %arg6[%get3A_477, %get3A_478] {strides = array<i32>} : memref<1600x16xf32, #tpu.memory_space<vmem>>, vector<1x16xf32>,
      %get3A_480 = vector.shape_cast %get3A_479 : vector<1x16xf32> to vector<16xf32>
      %add3A_481 = arith.addf %add3A_474, %get3A_480 : vector<16xf32>
      %add3A_482 = arith.constant 22 : i32
      %add3A_483 = arith.addi %mul3A_331, %add3A_482 : i32
      %get3A_484 = arith.index_cast %add3A_483 : i32 to index
      %get3A_485 = arith.constant 0 : index
      %get3A_486 = tpu.vector_load %arg6[%get3A_484, %get3A_485] {strides = array<i32>} : memref<1600x16xf32, #tpu.memory_space<vmem>>, vector<1x16xf32>,
      %get3A_487 = vector.shape_cast %get3A_486 : vector<1x16xf32> to vector<16xf32>
      %add3A_488 = arith.addf %add3A_481, %get3A_487 : vector<16xf32>
      %add3A_489 = arith.constant 23 : i32
      %add3A_490 = arith.addi %mul3A_331, %add3A_489 : i32
      %get3A_491 = arith.index_cast %add3A_490 : i32 to index
      %get3A_492 = arith.constant 0 : index
      %get3A_493 = tpu.vector_load %arg6[%get3A_491, %get3A_492] {strides = array<i32>} : memref<1600x16xf32, #tpu.memory_space<vmem>>, vector<1x16xf32>,
      %get3A_494 = vector.shape_cast %get3A_493 : vector<1x16xf32> to vector<16xf32>
      %add3A_495 = arith.addf %add3A_488, %get3A_494 : vector<16xf32>
      %add3A_496 = arith.constant 24 : i32
      %add3A_497 = arith.addi %mul3A_331, %add3A_496 : i32
      %get3A_498 = arith.index_cast %add3A_497 : i32 to index
      %get3A_499 = arith.constant 0 : index
      %get3A_500 = tpu.vector_load %arg6[%get3A_498, %get3A_499] {strides = array<i32>} : memref<1600x16xf32, #tpu.memory_space<vmem>>, vector<1x16xf32>,
      %get3A_501 = vector.shape_cast %get3A_500 : vector<1x16xf32> to vector<16xf32>
      %add3A_502 = arith.addf %add3A_495, %get3A_501 : vector<16xf32>
      %add3A_503 = arith.constant 25 : i32
      %add3A_504 = arith.addi %mul3A_331, %add3A_503 : i32
      %get3A_505 = arith.index_cast %add3A_504 : i32 to index
      %get3A_506 = arith.constant 0 : index
      %get3A_507 = tpu.vector_load %arg6[%get3A_505, %get3A_506] {strides = array<i32>} : memref<1600x16xf32, #tpu.memory_space<vmem>>, vector<1x16xf32>,
      %get3A_508 = vector.shape_cast %get3A_507 : vector<1x16xf32> to vector<16xf32>
      %add3A_509 = arith.addf %add3A_502, %get3A_508 : vector<16xf32>
      %add3A_510 = arith.constant 26 : i32
      %add3A_511 = arith.addi %mul3A_331, %add3A_510 : i32
      %get3A_512 = arith.index_cast %add3A_511 : i32 to index
      %get3A_513 = arith.constant 0 : index
      %get3A_514 = tpu.vector_load %arg6[%get3A_512, %get3A_513] {strides = array<i32>} : memref<1600x16xf32, #tpu.memory_space<vmem>>, vector<1x16xf32>,
      %get3A_515 = vector.shape_cast %get3A_514 : vector<1x16xf32> to vector<16xf32>
      %add3A_516 = arith.addf %add3A_509, %get3A_515 : vector<16xf32>
      %add3A_517 = arith.constant 27 : i32
      %add3A_518 = arith.addi %mul3A_331, %add3A_517 : i32
      %get3A_519 = arith.index_cast %add3A_518 : i32 to index
      %get3A_520 = arith.constant 0 : index
      %get3A_521 = tpu.vector_load %arg6[%get3A_519, %get3A_520] {strides = array<i32>} : memref<1600x16xf32, #tpu.memory_space<vmem>>, vector<1x16xf32>,
      %get3A_522 = vector.shape_cast %get3A_521 : vector<1x16xf32> to vector<16xf32>
      %add3A_523 = arith.addf %add3A_516, %get3A_522 : vector<16xf32>
      %add3A_524 = arith.constant 28 : i32
      %add3A_525 = arith.addi %mul3A_331, %add3A_524 : i32
      %get3A_526 = arith.index_cast %add3A_525 : i32 to index
      %get3A_527 = arith.constant 0 : index
      %get3A_528 = tpu.vector_load %arg6[%get3A_526, %get3A_527] {strides = array<i32>} : memref<1600x16xf32, #tpu.memory_space<vmem>>, vector<1x16xf32>,
      %get3A_529 = vector.shape_cast %get3A_528 : vector<1x16xf32> to vector<16xf32>
      %add3A_530 = arith.addf %add3A_523, %get3A_529 : vector<16xf32>
      %add3A_531 = arith.constant 29 : i32
      %add3A_532 = arith.addi %mul3A_331, %add3A_531 : i32
      %get3A_533 = arith.index_cast %add3A_532 : i32 to index
      %get3A_534 = arith.constant 0 : index
      %get3A_535 = tpu.vector_load %arg6[%get3A_533, %get3A_534] {strides = array<i32>} : memref<1600x16xf32, #tpu.memory_space<vmem>>, vector<1x16xf32>,
      %get3A_536 = vector.shape_cast %get3A_535 : vector<1x16xf32> to vector<16xf32>
      %add3A_537 = arith.addf %add3A_530, %get3A_536 : vector<16xf32>
      %add3A_538 = arith.constant 30 : i32
      %add3A_539 = arith.addi %mul3A_331, %add3A_538 : i32
      %get3A_540 = arith.index_cast %add3A_539 : i32 to index
      %get3A_541 = arith.constant 0 : index
      %get3A_542 = tpu.vector_load %arg6[%get3A_540, %get3A_541] {strides = array<i32>} : memref<1600x16xf32, #tpu.memory_space<vmem>>, vector<1x16xf32>,
      %get3A_543 = vector.shape_cast %get3A_542 : vector<1x16xf32> to vector<16xf32>
      %add3A_544 = arith.addf %add3A_537, %get3A_543 : vector<16xf32>
      %add3A_545 = arith.constant 31 : i32
      %add3A_546 = arith.addi %mul3A_331, %add3A_545 : i32
      %get3A_547 = arith.index_cast %add3A_546 : i32 to index
      %get3A_548 = arith.constant 0 : index
      %get3A_549 = tpu.vector_load %arg6[%get3A_547, %get3A_548] {strides = array<i32>} : memref<1600x16xf32, #tpu.memory_space<vmem>>, vector<1x16xf32>,
      %get3A_550 = vector.shape_cast %get3A_549 : vector<1x16xf32> to vector<16xf32>
      %add3A_551 = arith.addf %add3A_544, %get3A_550 : vector<16xf32>
      %add3A_552 = arith.constant 32 : i32
      %add3A_553 = arith.addi %mul3A_331, %add3A_552 : i32
      %get3A_554 = arith.index_cast %add3A_553 : i32 to index
      %get3A_555 = arith.constant 0 : index
      %get3A_556 = tpu.vector_load %arg6[%get3A_554, %get3A_555] {strides = array<i32>} : memref<1600x16xf32, #tpu.memory_space<vmem>>, vector<1x16xf32>,
      %get3A_557 = vector.shape_cast %get3A_556 : vector<1x16xf32> to vector<16xf32>
      %add3A_558 = arith.addf %add3A_551, %get3A_557 : vector<16xf32>
      %add3A_559 = arith.constant 33 : i32
      %add3A_560 = arith.addi %mul3A_331, %add3A_559 : i32
      %get3A_561 = arith.index_cast %add3A_560 : i32 to index
      %get3A_562 = arith.constant 0 : index
      %get3A_563 = tpu.vector_load %arg6[%get3A_561, %get3A_562] {strides = array<i32>} : memref<1600x16xf32, #tpu.memory_space<vmem>>, vector<1x16xf32>,
      %get3A_564 = vector.shape_cast %get3A_563 : vector<1x16xf32> to vector<16xf32>
      %add3A_565 = arith.addf %add3A_558, %get3A_564 : vector<16xf32>
      %add3A_566 = arith.constant 34 : i32
      %add3A_567 = arith.addi %mul3A_331, %add3A_566 : i32
      %get3A_568 = arith.index_cast %add3A_567 : i32 to index
      %get3A_569 = arith.constant 0 : index
      %get3A_570 = tpu.vector_load %arg6[%get3A_568, %get3A_569] {strides = array<i32>} : memref<1600x16xf32, #tpu.memory_space<vmem>>, vector<1x16xf32>,
      %get3A_571 = vector.shape_cast %get3A_570 : vector<1x16xf32> to vector<16xf32>
      %add3A_572 = arith.addf %add3A_565, %get3A_571 : vector<16xf32>
      %add3A_573 = arith.constant 35 : i32
      %add3A_574 = arith.addi %mul3A_331, %add3A_573 : i32
      %get3A_575 = arith.index_cast %add3A_574 : i32 to index
      %get3A_576 = arith.constant 0 : index
      %get3A_577 = tpu.vector_load %arg6[%get3A_575, %get3A_576] {strides = array<i32>} : memref<1600x16xf32, #tpu.memory_space<vmem>>, vector<1x16xf32>,
      %get3A_578 = vector.shape_cast %get3A_577 : vector<1x16xf32> to vector<16xf32>
      %add3A_579 = arith.addf %add3A_572, %get3A_578 : vector<16xf32>
      %add3A_580 = arith.constant 36 : i32
      %add3A_581 = arith.addi %mul3A_331, %add3A_580 : i32
      %get3A_582 = arith.index_cast %add3A_581 : i32 to index
      %get3A_583 = arith.constant 0 : index
      %get3A_584 = tpu.vector_load %arg6[%get3A_582, %get3A_583] {strides = array<i32>} : memref<1600x16xf32, #tpu.memory_space<vmem>>, vector<1x16xf32>,
      %get3A_585 = vector.shape_cast %get3A_584 : vector<1x16xf32> to vector<16xf32>
      %add3A_586 = arith.addf %add3A_579, %get3A_585 : vector<16xf32>
      %add3A_587 = arith.constant 37 : i32
      %add3A_588 = arith.addi %mul3A_331, %add3A_587 : i32
      %get3A_589 = arith.index_cast %add3A_588 : i32 to index
      %get3A_590 = arith.constant 0 : index
      %get3A_591 = tpu.vector_load %arg6[%get3A_589, %get3A_590] {strides = array<i32>} : memref<1600x16xf32, #tpu.memory_space<vmem>>, vector<1x16xf32>,
      %get3A_592 = vector.shape_cast %get3A_591 : vector<1x16xf32> to vector<16xf32>
      %add3A_593 = arith.addf %add3A_586, %get3A_592 : vector<16xf32>
      %add3A_594 = arith.constant 38 : i32
      %add3A_595 = arith.addi %mul3A_331, %add3A_594 : i32
      %get3A_596 = arith.index_cast %add3A_595 : i32 to index
      %get3A_597 = arith.constant 0 : index
      %get3A_598 = tpu.vector_load %arg6[%get3A_596, %get3A_597] {strides = array<i32>} : memref<1600x16xf32, #tpu.memory_space<vmem>>, vector<1x16xf32>,
      %get3A_599 = vector.shape_cast %get3A_598 : vector<1x16xf32> to vector<16xf32>
      %add3A_600 = arith.addf %add3A_593, %get3A_599 : vector<16xf32>
      %add3A_601 = arith.constant 39 : i32
      %add3A_602 = arith.addi %mul3A_331, %add3A_601 : i32
      %get3A_603 = arith.index_cast %add3A_602 : i32 to index
      %get3A_604 = arith.constant 0 : index
      %get3A_605 = tpu.vector_load %arg6[%get3A_603, %get3A_604] {strides = array<i32>} : memref<1600x16xf32, #tpu.memory_space<vmem>>, vector<1x16xf32>,
      %get3A_606 = vector.shape_cast %get3A_605 : vector<1x16xf32> to vector<16xf32>
      %add3A_607 = arith.addf %add3A_600, %get3A_606 : vector<16xf32>
      %add3A_608 = arith.constant 40 : i32
      %add3A_609 = arith.addi %mul3A_331, %add3A_608 : i32
      %get3A_610 = arith.index_cast %add3A_609 : i32 to index
      %get3A_611 = arith.constant 0 : index
      %get3A_612 = tpu.vector_load %arg6[%get3A_610, %get3A_611] {strides = array<i32>} : memref<1600x16xf32, #tpu.memory_space<vmem>>, vector<1x16xf32>,
      %get3A_613 = vector.shape_cast %get3A_612 : vector<1x16xf32> to vector<16xf32>
      %add3A_614 = arith.addf %add3A_607, %get3A_613 : vector<16xf32>
      %add3A_615 = arith.constant 41 : i32
      %add3A_616 = arith.addi %mul3A_331, %add3A_615 : i32
      %get3A_617 = arith.index_cast %add3A_616 : i32 to index
      %get3A_618 = arith.constant 0 : index
      %get3A_619 = tpu.vector_load %arg6[%get3A_617, %get3A_618] {strides = array<i32>} : memref<1600x16xf32, #tpu.memory_space<vmem>>, vector<1x16xf32>,
      %get3A_620 = vector.shape_cast %get3A_619 : vector<1x16xf32> to vector<16xf32>
      %add3A_621 = arith.addf %add3A_614, %get3A_620 : vector<16xf32>
      %add3A_622 = arith.constant 42 : i32
      %add3A_623 = arith.addi %mul3A_331, %add3A_622 : i32
      %get3A_624 = arith.index_cast %add3A_623 : i32 to index
      %get3A_625 = arith.constant 0 : index
      %get3A_626 = tpu.vector_load %arg6[%get3A_624, %get3A_625] {strides = array<i32>} : memref<1600x16xf32, #tpu.memory_space<vmem>>, vector<1x16xf32>,
      %get3A_627 = vector.shape_cast %get3A_626 : vector<1x16xf32> to vector<16xf32>
      %add3A_628 = arith.addf %add3A_621, %get3A_627 : vector<16xf32>
      %add3A_629 = arith.constant 43 : i32
      %add3A_630 = arith.addi %mul3A_331, %add3A_629 : i32
      %get3A_631 = arith.index_cast %add3A_630 : i32 to index
      %get3A_632 = arith.constant 0 : index
      %get3A_633 = tpu.vector_load %arg6[%get3A_631, %get3A_632] {strides = array<i32>} : memref<1600x16xf32, #tpu.memory_space<vmem>>, vector<1x16xf32>,
      %get3A_634 = vector.shape_cast %get3A_633 : vector<1x16xf32> to vector<16xf32>
      %add3A_635 = arith.addf %add3A_628, %get3A_634 : vector<16xf32>
      %add3A_636 = arith.constant 44 : i32
      %add3A_637 = arith.addi %mul3A_331, %add3A_636 : i32
      %get3A_638 = arith.index_cast %add3A_637 : i32 to index
      %get3A_639 = arith.constant 0 : index
      %get3A_640 = tpu.vector_load %arg6[%get3A_638, %get3A_639] {strides = array<i32>} : memref<1600x16xf32, #tpu.memory_space<vmem>>, vector<1x16xf32>,
      %get3A_641 = vector.shape_cast %get3A_640 : vector<1x16xf32> to vector<16xf32>
      %add3A_642 = arith.addf %add3A_635, %get3A_641 : vector<16xf32>
      %add3A_643 = arith.constant 45 : i32
      %add3A_644 = arith.addi %mul3A_331, %add3A_643 : i32
      %get3A_645 = arith.index_cast %add3A_644 : i32 to index
      %get3A_646 = arith.constant 0 : index
      %get3A_647 = tpu.vector_load %arg6[%get3A_645, %get3A_646] {strides = array<i32>} : memref<1600x16xf32, #tpu.memory_space<vmem>>, vector<1x16xf32>,
      %get3A_648 = vector.shape_cast %get3A_647 : vector<1x16xf32> to vector<16xf32>
      %add3A_649 = arith.addf %add3A_642, %get3A_648 : vector<16xf32>
      %add3A_650 = arith.constant 46 : i32
      %add3A_651 = arith.addi %mul3A_331, %add3A_650 : i32
      %get3A_652 = arith.index_cast %add3A_651 : i32 to index
      %get3A_653 = arith.constant 0 : index
      %get3A_654 = tpu.vector_load %arg6[%get3A_652, %get3A_653] {strides = array<i32>} : memref<1600x16xf32, #tpu.memory_space<vmem>>, vector<1x16xf32>,
      %get3A_655 = vector.shape_cast %get3A_654 : vector<1x16xf32> to vector<16xf32>
      %add3A_656 = arith.addf %add3A_649, %get3A_655 : vector<16xf32>
      %add3A_657 = arith.constant 47 : i32
      %add3A_658 = arith.addi %mul3A_331, %add3A_657 : i32
      %get3A_659 = arith.index_cast %add3A_658 : i32 to index
      %get3A_660 = arith.constant 0 : index
      %get3A_661 = tpu.vector_load %arg6[%get3A_659, %get3A_660] {strides = array<i32>} : memref<1600x16xf32, #tpu.memory_space<vmem>>, vector<1x16xf32>,
      %get3A_662 = vector.shape_cast %get3A_661 : vector<1x16xf32> to vector<16xf32>
      %add3A_663 = arith.addf %add3A_656, %get3A_662 : vector<16xf32>
      %add3A_664 = arith.constant 48 : i32
      %add3A_665 = arith.addi %mul3A_331, %add3A_664 : i32
      %get3A_666 = arith.index_cast %add3A_665 : i32 to index
      %get3A_667 = arith.constant 0 : index
      %get3A_668 = tpu.vector_load %arg6[%get3A_666, %get3A_667] {strides = array<i32>} : memref<1600x16xf32, #tpu.memory_space<vmem>>, vector<1x16xf32>,
      %get3A_669 = vector.shape_cast %get3A_668 : vector<1x16xf32> to vector<16xf32>
      %add3A_670 = arith.addf %add3A_663, %get3A_669 : vector<16xf32>
      %add3A_671 = arith.constant 49 : i32
      %add3A_672 = arith.addi %mul3A_331, %add3A_671 : i32
      %get3A_673 = arith.index_cast %add3A_672 : i32 to index
      %get3A_674 = arith.constant 0 : index
      %get3A_675 = tpu.vector_load %arg6[%get3A_673, %get3A_674] {strides = array<i32>} : memref<1600x16xf32, #tpu.memory_space<vmem>>, vector<1x16xf32>,
      %get3A_676 = vector.shape_cast %get3A_675 : vector<1x16xf32> to vector<16xf32>
      %add3A_677 = arith.addf %add3A_670, %get3A_676 : vector<16xf32>
      %mul3A_678 = vector.broadcast %scan3A_321 : f32 to vector<16xf32>
      %mul3A_679 = arith.mulf %add3A_677, %mul3A_678 : vector<16xf32>
      %swap3A = arith.index_cast %scan3A_329 : i32 to index
      %swap3A_680 = arith.constant 0 : index
      %swap3A_681 = tpu.vector_load %arg7[%swap3A, %swap3A_680] {strides = array<i32>} : memref<32x16xf32, #tpu.memory_space<vmem>>, vector<1x16xf32>,
      %swap3A_682 = vector.shape_cast %swap3A_681 : vector<1x16xf32> to vector<16xf32>
      %swap3A_683 = vector.shape_cast %mul3A_679 : vector<16xf32> to vector<1x16xf32>
      tpu.vector_store %arg7[%swap3A, %swap3A_680], %swap3A_683 {strides = array<i32>} : memref<32x16xf32, #tpu.memory_space<vmem>>, vector<1x16xf32>,
    }
    %scan3A_326 = arith.constant 32 : i32
    %mul3A_327 = arith.constant 32 : i32
    %mul3A_328 = arith.muli %add3A, %mul3A_327 : i32
    "tpu.region"() ({
      %run_scoped3A = tpu.sem_alloc : memref<!tpu.dma_semaphore, #tpu.memory_space<semaphore_mem>>
      %dma_start3A_329 = arith.constant 0 : i32
      %dma_start3A_330 = tpu.memref_slice %arg4[%mul3A_328, %dma_start3A_329] : memref<1024x16xf32, #tpu.memory_space<hbm>> -> memref<32x16xf32, #tpu.memory_space<hbm>>
      %dma_start3A_331 = arith.constant 0 : i32
      %dma_start3A_332 = tpu.memref_slice %arg4[%mul3A_328, %dma_start3A_331] : memref<1024x16xf32, #tpu.memory_space<hbm>> -> memref<32x16xf32, #tpu.memory_space<hbm>>
      tpu.enqueue_dma source(%arg7 : memref<32x16xf32, #tpu.memory_space<vmem>>) target(%dma_start3A_332 : memref<32x16xf32, #tpu.memory_space<hbm>>) target_semaphore(%run_scoped3A : memref<!tpu.dma_semaphore, #tpu.memory_space<semaphore_mem>>)
      %dma_wait3A_333 = arith.constant 0 : i32
      %dma_wait3A_334 = tpu.memref_slice %arg4[%mul3A_328, %dma_wait3A_333] : memref<1024x16xf32, #tpu.memory_space<hbm>> -> memref<32x16xf32, #tpu.memory_space<hbm>>
      %dma_wait3A_335 = arith.constant 0 : i32
      %dma_wait3A_336 = tpu.memref_slice %arg4[%mul3A_328, %dma_wait3A_335] : memref<1024x16xf32, #tpu.memory_space<hbm>> -> memref<32x16xf32, #tpu.memory_space<hbm>>
      tpu.wait_dma2 semaphore(%run_scoped3A : memref<!tpu.dma_semaphore, #tpu.memory_space<semaphore_mem>>) src(%arg7 : memref<32x16xf32, #tpu.memory_space<vmem>>) dst(%dma_wait3A_336 : memref<32x16xf32, #tpu.memory_space<hbm>>)
      tpu.yield
    }) : () -> ()
    return
  }
}

module attributes {stable_mosaic.version = 14 : i64} {
  func.func @body(%arg0: i32, %arg1: memref<1024x16xf32, #tpu.memory_space<vmem>>, %arg2: memref<16x2048xf32, #tpu.memory_space<vmem>>, %arg3: memref<1x2048xf32, #tpu.memory_space<vmem>>, %arg4: memref<2048x1024xf32, #tpu.memory_space<vmem>>) attributes {dimension_semantics = [#tpu.dimension_semantics<arbitrary>], iteration_bounds = array<i64: 49>, scalar_prefetch = 0 : i64, scratch_operands = 0 : i64, tpu.core_type = #tpu.core_type<tc>, window_params = [{pipeline_mode = #tpu.pipeline_mode<synchronous>, transform_indices = @transform_0, window_bounds = array<i64: 1024, 16>}, {transform_indices = @transform_1, window_bounds = array<i64: 16, 2048>}, {transform_indices = @transform_2, window_bounds = array<i64: 1, 2048>}, {transform_indices = @transform_3, window_bounds = array<i64: 2048, 1024>}]} {
    %get3A = arith.constant 0 : index
    %get3A_0 = arith.constant 0 : index
    %get3A_1 = vector.load %arg2[%get3A, %get3A_0] : memref<16x2048xf32, #tpu.memory_space<vmem>>, vector<16x2048xf32>
    %get3A_2 = arith.constant 0 : index
    %get3A_3 = arith.constant 0 : index
    %get3A_4 = vector.load %arg1[%get3A_2, %get3A_3] : memref<1024x16xf32, #tpu.memory_space<vmem>>, vector<1024x16xf32>
    %dot_general3A = arith.constant dense<0.000000e+00> : vector<2048x1024xf32>
    %dot_general3A_5 = tpu.matmul %get3A_1, %get3A_4, %dot_general3A {dimension_numbers = #tpu.dot_dimension_numbers<[0], [1], [1], [0], [0, 1, 1, 0], [], []>, transpose_lhs_hint = false} : vector<16x2048xf32>, vector<1024x16xf32>, vector<2048x1024xf32> -> vector<2048x1024xf32>
    %get3A_6 = arith.constant 0 : index
    %get3A_7 = arith.constant 0 : index
    %get3A_8 = vector.load %arg3[%get3A_6, %get3A_7] : memref<1x2048xf32, #tpu.memory_space<vmem>>, vector<1x2048xf32>
    %get3A_9 = vector.shape_cast %get3A_8 : vector<1x2048xf32> to vector<2048xf32>
    %broadcast_in_dim3A = vector.shape_cast %get3A_9 : vector<2048xf32> to vector<2048x1xf32>
    %add3A = vector.broadcast %broadcast_in_dim3A : vector<2048x1xf32> to vector<2048x1024xf32>
    %add3A_10 = arith.addf %dot_general3A_5, %add3A : vector<2048x1024xf32>
    %swap3A = arith.constant 0 : index
    %swap3A_11 = arith.constant 0 : index
    %swap3A_12 = vector.load %arg4[%swap3A, %swap3A_11] : memref<2048x1024xf32, #tpu.memory_space<vmem>>, vector<2048x1024xf32>
    tpu.vector_store %arg4[%swap3A, %swap3A_11], %add3A_10 {strides = array<i32>} : memref<2048x1024xf32, #tpu.memory_space<vmem>>, vector<2048x1024xf32>,
    return
  }
  func.func @transform_0(%arg0: i32) -> (i32, i32) {
    %c0_i32 = arith.constant 0 : i32
    %c0_i32_0 = arith.constant 0 : i32
    %c0_i32_1 = arith.constant 0 : i32
    return %c0_i32, %c0_i32_0 : i32, i32
  }
  func.func @transform_1(%arg0: i32) -> (i32, i32) {
    %c0_i32 = arith.constant 0 : i32
    %c0_i32_0 = arith.constant 0 : i32
    return %c0_i32, %arg0 : i32, i32
  }
  func.func @transform_2(%arg0: i32) -> (i32, i32) {
    %c0_i32 = arith.constant 0 : i32
    %c0_i32_0 = arith.constant 0 : i32
    return %c0_i32, %arg0 : i32, i32
  }
  func.func @transform_3(%arg0: i32) -> (i32, i32) {
    %c0_i32 = arith.constant 0 : i32
    %c0_i32_0 = arith.constant 0 : i32
    return %arg0, %c0_i32 : i32, i32
  }
}

</mosaic_0001>

<sc_bundles>
// kernel: kernel.4.cloned.1.call-start
scs
__scs_entry_jumppad:
0x0: {  	(pc) =	sbr.rel $0x88, $3  }
0x1: {  	(tag) =	ssettag $0x0;
	lr =	simm.s32 $0x1  }
0x2: {  	[smem:$0x3F9D] =	sst lr;
	_ =	strace $0xD0000000  }
0x3: {  	_ = 	snop  }
0x4: {  	_ = 	snop  }
0x5: {  	_ = 	snop  }
0x6: {  	_ = 	snop  }
0x7: {  	_ = 	snop  }
__scs_overlays_trampoline_lowered:
0x8: {  	[smem:$0x3FAC] =	sst s0  }
0x9: {  	[smem:$0x3FAD] =	sst s1  }
0xa: {  	[smem:$0x3FAE] =	sst s2  }
0xb: {  	[smem:$0x3FAF] =	sst s3  }
0xc: {  	[smem:$0x3FB0] =	sst s4  }
0xd: {  	[smem:$0x3FB1] =	sst s5  }
0xe: {  	[smem:$0x3FB2] =	sst s6  }
0xf: {  	[smem:$0x3FB3] =	sst s7  }
0x10: {  	[smem:$0x3FB4] =	sst s8  }
0x11: {  	[smem:$0x3FB5] =	sst s9;
	s0 =	simm.s32 @!p0 $0x0  }
0x12: {  	s1 =	sld [smem:$0x3F9B];
	s0 =	simm.s32 @p0 $0x1  }
0x13: {  	[smem:$0x3FB6] =	sst s0;
	s0 =	simm.s32 @!p1 $0x0  }
0x14: {  	s2 =	sld [smem:$0x3F9A];
	s0 =	simm.s32 @p1 $0x1  }
0x15: {  	[smem:$0x3FB7] =	sst s0;
	s0 =	simm.s32 @!p2 $0x0  }
0x16: {  	s3 =	sld [smem:$0x3FDB];
	s0 =	simm.s32 @p2 $0x1  }
0x17: {  	s4 =	simm.s32 $0x1BF5;
	[smem:$0x3FB9] =	sst s0  }
0x18: {  	s0 =	sld [smem:$0x3F9C];
	_ =	swait.ge [sflag:s4], $0x0  }
0x19: {  	s7 =	sld [smem:$0x3F9D]  }
0x1a: {  	s8 =	sadd.s32 $0xFFFFE003, lr  }
0x1b: {  	s9 =	sadd.s32 $0xFFFFFEF7, lr;
	s5 =	simm.s32 $0xFFFFFFFF;
	p2 =	slt.u32 s8, $0xFFFFF086  }
0x1c: {  	p1 =	slt.u32 s9, $0xF7A;
	s5 =	simm.s32 @!p2 $0x0  }
0x1d: {  	s5 =	simm.s32 @p1 $0x1;
	p0 =	seq.s32 s7, s2  }
0x1e: {  	s7 =	smul.u32 @!p0 $0xF7A, s2;
	p2 =	seq.s32 @!p0 s5, $0x0  }
0x1f: {  	s9 =	smul.u32 $0xF7A, s1;
	s8 =	simm.s32 @!p0 $0x1BF5;
	p2 =	por !p2, p0  }
0x20: {  	[sflag:s8] =	ssyncset.s32 @!p0 $0xFFFFF086;
	s6 =	sadd.s32 @!p0 s3, s7;
	s7 =	simm.s32 @!p0 $0x108  }
0x21: {  	s3 =	sadd.s32 s3, s9;
	s6 =	sadd.s32 @!p0 $0x88, s6;
	s7 =	simm.s32 @p2 $0x1082  }
0x22: {  	[simem:s7], [sflag:s8] =	dma.local @!p0 [hbm:s6], $0xF7A  }
0x23: {  	s9 =	sor.u32 $0xD0000000, s2;
	s6 =	simm.s32 $0x108;
	_ =	swait.ge @!p0 [sflag:s8], $0x0  }
0x24: {  	s3 =	sadd.s32 $0x88, s3;
	s6 =	simm.s32 @!p1 $0x1082;
	[sflag:s4] =	ssyncset.s32 $0xFFFFF086  }
0x25: {  	[simem:s6], [sflag:s4] =	dma.local [hbm:s3], $0xF7A  }
0x26: {  	[smem:$0x3F9D] =	sst s1;
	(tag) =	ssettag s2;
	_ =	strace s9  }
0x27: {  	s1 =	sld [smem:$0x3FAD]  }
0x28: {  	s2 =	sld [smem:$0x3FAE]  }
0x29: {  	s4 =	sld [smem:$0x3FB0]  }
0x2a: {  	p0 =	seq.s32 s5, $0x0;
	s5 =	sld [smem:$0x3FB1]  }
0x2b: {  	s6 =	sld [smem:$0x3FB2]  }
0x2c: {  	s7 =	sld [smem:$0x3FB3]  }
0x2d: {  	s3 =	simm.s32 $0x108;
	s8 =	sld [smem:$0x3FB4]  }
0x2e: {  	s3 =	simm.s32 @!p0 $0x1082;
	s9 =	sld [smem:$0x3FB5]  }
0x2f: {  	lr =	sadd.s32 s0, s3;
	s0 =	sld [smem:$0x3FAC]  }
0x30: {  	s3 =	sld [smem:$0x3FAF]  }
0x31: {  	[smem:$0x3FB8] =	sst s10  }
0x32: {  	s10 =	sld [smem:$0x3FB6];
	_ =	sdelay $0x3  }
0x33: {  	p0 =	seq.s32 s10, $0x1;
	s10 =	sld [smem:$0x3FB8];
	_ =	sdelay $0x3  }
0x34: {  	[smem:$0x3FB8] =	sst s10  }
0x35: {  	s10 =	sld [smem:$0x3FB7];
	_ =	sdelay $0x3  }
0x36: {  	p1 =	seq.s32 s10, $0x1;
	s10 =	sld [smem:$0x3FB8];
	_ =	sdelay $0x3  }
0x37: {  	[smem:$0x3FB8] =	sst s10  }
0x38: {  	s10 =	sld [smem:$0x3FB9]  }
0x39: {  	_ = 	snop;
	(pc) =	sbr.ind lr, $3  }
0x3a: {  	_ = 	snop  }
0x3b: {  	_ = 	snop  }
0x3c: {  	p2 =	seq.s32 s10, $0x1;
	s10 =	sld [smem:$0x3FB8]  }
0x3d: {  	_ =	shalt  }
0x3e: {  	_ =	shalt  }
0x3f: {  	_ =	shalt  }
0x40: {  	_ =	shalt  }
0x41: {  	_ =	shalt  }
0x42: {  	_ =	shalt  }
0x43: {  	_ =	shalt  }
0x44: {  	_ =	shalt  }
0x45: {  	_ =	shalt  }
0x46: {  	_ =	shalt  }
0x47: {  	_ =	shalt  }
0x48: {  	_ =	shalt  }
0x49: {  	_ =	shalt  }
0x4a: {  	_ =	shalt  }
0x4b: {  	_ =	shalt  }
0x4c: {  	_ =	shalt  }
0x4d: {  	_ =	shalt  }
0x4e: {  	_ =	shalt  }
0x4f: {  	_ =	shalt  }
0x50: {  	_ =	shalt  }
0x51: {  	_ =	shalt  }
0x52: {  	_ =	shalt  }
0x53: {  	_ =	shalt  }
0x54: {  	_ =	shalt  }
0x55: {  	_ =	shalt  }
0x56: {  	_ =	shalt  }
0x57: {  	_ =	shalt  }
0x58: {  	_ =	shalt  }
0x59: {  	_ =	shalt  }
0x5a: {  	_ =	shalt  }
0x5b: {  	_ =	shalt  }
0x5c: {  	_ =	shalt  }
0x5d: {  	_ =	shalt  }
0x5e: {  	_ =	shalt  }
0x5f: {  	_ =	shalt  }
0x60: {  	_ =	shalt  }
0x61: {  	_ =	shalt  }
0x62: {  	_ =	shalt  }
0x63: {  	_ =	shalt  }
0x64: {  	_ =	shalt  }
0x65: {  	_ =	shalt  }
0x66: {  	_ =	shalt  }
0x67: {  	_ =	shalt  }
0x68: {  	_ =	shalt  }
0x69: {  	_ =	shalt  }
0x6a: {  	_ =	shalt  }
0x6b: {  	_ =	shalt  }
0x6c: {  	_ =	shalt  }
0x6d: {  	_ =	shalt  }
0x6e: {  	_ =	shalt  }
0x6f: {  	_ =	shalt  }
0x70: {  	_ =	shalt  }
0x71: {  	_ =	shalt  }
0x72: {  	_ =	shalt  }
0x73: {  	_ =	shalt  }
0x74: {  	_ =	shalt  }
0x75: {  	_ =	shalt  }
0x76: {  	_ =	shalt  }
0x77: {  	_ =	shalt  }
0x78: {  	_ =	shalt  }
0x79: {  	_ =	shalt  }
0x7a: {  	_ =	shalt  }
0x7b: {  	_ =	shalt  }
0x7c: {  	_ =	shalt  }
0x7d: {  	_ =	shalt  }
0x7e: {  	_ =	shalt  }
0x7f: {  	_ =	shalt  }
0x80: {  	_ =	shalt  }
0x81: {  	_ =	shalt  }
0x82: {  	_ =	shalt  }
0x83: {  	_ =	shalt  }
0x84: {  	_ =	shalt  }
0x85: {  	_ =	shalt  }
0x86: {  	_ =	shalt  }
0x87: {  	_ =	shalt  }
.Lfunc_end0:
.L_simem_size_0:
called_computation_lowered:
.L_overlay_start_0:
0x88: {  	s2 =	sld [smem:$0x3FD9]  }
0x89: {  	s3 =	sld [smem:$0x3FFE];
	_ =	sdelay $0x1  }
0x8a: {  	s1 =	srdreg.scid  }
0x8b: {  	s0 =	sand.u32 $0x1, s1  }
0x8c: {  	s17 =	sshll.u32 s0, $0xA;
	s2 =	sadd.s32 s3, s2  }
0x8d: {  	s2 =	sadd.s32 s2, s17  }
0x8e: {  	[smem:$0x3FC4] =	sst s2  }
0x8f: {  	_ = 	snop  }
0x90: {  	s2 =	sld [smem:$0x3FD0];
	(tm) =	ssettm $0x1  }
0x91: {  	s18 =	sld [smem:$0x3FFB];
	_ =	sdelay $0x3  }
0x92: {  	_ =	strace s18  }
0x93: {  	s3 =	sld [smem:$0x3FFC];
	_ =	sdelay $0x3  }
0x94: {  	_ =	strace s3  }
0x95: {  	s3 =	sld [smem:$0x3FFD];
	_ =	sdelay $0x3  }
0x96: {  	_ =	strace s3  }
0x97: {  	_ =	strace $0x8FFFFFFF  }
0x98: {  	s19 =	sld [smem:$0x3FDB];
	_ =	sdelay $0x1  }
0x99: {  	s4 =	simm.s32 $_scs_section_size  }
0x9a: {  	s5 =	simm.s32 $_size__tile_overlayer_lowered;
	s6 =	simm.s32 $_tile_overlayer_lowered  }
0x9b: {  	s22 =	simm.s32 $0x1BFF;
	s21 =	sshll.u32 s6, $0x1;
	s3 =	sadd.s32 s4, s19  }
0x9c: {  	s7 =	simm.s32 $0x0;
	s20 =	sshll.u32 s5, $0x1;
	s5 =	sadd.s32 s21, s3  }
0x9d: {  	[timem:s7], [sflag:s22] =	dma.local [hbm:s5], s20  }
0x9e: {  	_ =	swait.ge [sflag:s22], s20  }
0x9f: {  	s4 =	ssub.s32 $0x0, s20;
	[sflag:s22] =	ssyncset.done $0x0  }
0xa0: {  	[sflag:s22] =	ssyncadd.s32 s4;
	_ =	sdelay $0x1  }
0xa1: {  	s23 =	simm.s32 $0x1B8B  }
0xa2: {  	_ =	swait.ge [sflag:s23], $0x1  }
0xa3: {  	[sflag:s23] =	ssyncset.done $0x0  }
0xa4: {  	s25 =	simm.s32 $0x1B8E;
	s24 =	sld [smem:$0x3FFE];
	[sflag:s23] =	ssyncadd.s32 $0xFFFFFFFF  }
0xa5: {  	s26 =	simm.s32 $execute0_lowered;
	[smem:$0x3FD2] =	sst s25  }
0xa6: {  	s5 =	sshll.u32 s26, $0x1;
	_ =	strace $0x80000046;
	[dreg:$0x1] =	wrdreg $0xFFFFFFFF  }
0xa7: {  	s28 =	simm.s32 $_size_execute0_lowered;
	s3 =	sadd.s32 s3, s5;
	[dreg:$0x0] =	wrdreg $0x0  }
0xa8: {  	s5 =	sshll.u32 s28, $0x1;
	[dreg:$0x2] =	wrdreg s3  }
0xa9: {  	[dreg:$0x3] =	wrdreg s5  }
0xaa: {  	[dreg:$0x4] =	wrdreg $0xC0  }
0xab: {  	_ =	task [dreg:s7], $0x5FFFF  }
0xac: {  	[dreg:$0x1] =	wrdreg $0xFFFFFFFF  }
0xad: {  	[dreg:$0x0] =	wrdreg $0x60  }
0xae: {  	[dreg:$0x2] =	wrdreg s24  }
0xaf: {  	[dreg:$0x3] =	wrdreg s2  }
0xb0: {  	[dreg:$0x4] =	wrdreg $0x9  }
0xb1: {  	_ =	task.clear_ibuf [dreg:s7], $0x5FFFF;
	_ =	strace $0x90000046  }
0xb2: {  	s29 =	simm.s32 $0x9;
	_ =	strace $0x80000048  }
0xb3: {  	_ =	swait.ge [sflag:s29], $0x1  }
0xb4: {  	[sflag:s29] =	ssyncadd.s32 $0xFFFFFFFF  }
0xb5: {  	_ =	strace $0x90000048  }
0xb6: {  	_ =	sfence  }
0xb7: {  	s30 =	sld [smem:$0x0];
	_ =	sdelay $0x2  }
0xb8: {  	s31 =	sshll.u32 s1, $0xD;
	s1 =	sshrl.u32 s1, $0x2  }
0xb9: {  	s3 =	sand.u32 $0x4000, s31;
	s1 =	sadd.s32 s1, s30  }
0xba: {  	s0 =	sor.u32 s3, s0;
	s1 =	sshll.u32 s1, $0x11  }
0xbb: {  	s0 =	sor.u32 s1, s0  }
0xbc: {  	s0 =	sadd.s32 $0x8F2B, s0  }
0xbd: {  	[sflag:s0] =	ssyncadd.remote.s32 $0x1  }
0xbe: {  	_ =	sfence.sel $0xFFFF  }
0xbf: {  	[dreg:$0x0] =	wrdreg $0xFFFFFFFF;
	(pc) =	sbr.abs _section_cstart, $3  }
0xc0: {  	[dreg:$0x1] =	wrdreg $0xFFFFFFFF  }
0xc1: {  	_ =	task.clear_ibuf [dreg:s7], $0x2FFFF;
	_ =	strace $0x9FFFFFFF  }
0xc2: {  	(tm) =	ssettm $0x7FFFFFFF  }
0xc3: {  	_ =	shalt  }
tec
execute0_lowered:
.L_overlay_start_1:
0x0: {  	(tag) =	ssettag $0x1  }
0x1: {  	s0 =	rddreg [dreg:$0x0]  }
0x2: {  	s1 =	srdreg.scid;
	s2 =	stileid.u32  }
0x3: {  	s5 =	rddreg [dreg:$0x1];
	s7 =	simm.s32 $0x2;
	s8 =	simm.s32 $0x50  }
0x4: {  	s31 =	simm.s32 $0x3D40;
	s9 =	simm.s32 $0x410;
	s10 =	simm.s32 $0x4740  }
0x5: {  	s11 =	simm.s32 $0x460;
	s12 =	simm.s32 $0x4C40;
	s13 =	simm.s32 $0x4B0  }
0x6: {  	s14 =	simm.s32 $0x5140;
	s15 =	simm.s32 $0x500;
	s16 =	simm.s32 $0x5640  }
0x7: {  	s17 =	simm.s32 $0x550;
	s18 =	simm.s32 $0x5B40;
	s19 =	simm.s32 $0x5A0  }
0x8: {  	s20 =	simm.s32 $0x6040;
	s21 =	simm.s32 $0x5F0;
	s22 =	simm.s32 $0x6540  }
0x9: {  	s23 =	simm.s32 $0x1;
	s1 =	sand.u32 $0x1, s1;
	s3 =	sshll.u32 s2, $0x1  }
0xa: {  	s24 =	simm.s32 $0x6A40;
	s2 =	simm.s32 $0x0;
	s6 =	sor.u32 s1, s3  }
0xb: {  	s25 =	simm.s32 $0x0;
	[smem:$0x7FF] =	sst s2;
	s3 =	smul.u32 $0xC8, s6  }
0xc: {  	s1 =	ssub.s32 $0x2, s1;
	_ =	strace $0x80000047;
	s30 =	sshll.u32 s6, $0x6  }
0xd: {  	s29 =	sshrl.u32 s1, $0x1;
	s5 =	sadd.s32 s5, s30;
	s4 =	sadd.s32 s3, s0  }
0xe: {  	s3 =	sadd.s32 $0x2000, s0;
	s0 =	ssub.s32 s1, s29;
	s1 =	simm.s32 $0x3C0  }
0xf: {  	s4 =	sadd.s32 $0x600, s4;
	s6 =	smax.u32 s0, $0x1;
	s0 =	simm.s32 $0x4240  }
.LBB2_1:
0x10: {  	[tilespmem:s2], [sflag:$0x2] =	stream.linear.gather [hbm4b:s4+s2], $0x640, $0x38;
	[tilespmem:$0x6C40] =	vst v63  }
0x11: {  	_ =	swait.ge [sflag:s7], $0x640  }
0x12: {  	[sflag:s7] =	ssyncset.done $0x0  }
0x13: {  	s26 =	simm.s32 $0x640;
	[sflag:s7] =	ssyncadd.s32 $0xFFFFF9C0  }
0x14: {  	[tilespmem:s26], [sflag:$0x1] =	stream.indirect.gather [hbm4b:s3+s8], $0x10, s2, s8, $0xb8;
	[tilespmem:$0x6C40] =	vst v63  }
0x15: {  	s30 =	simm.s32 $0xB40  }
0x16: {  	[tilespmem:s30], [sflag:$0x1] =	stream.indirect.gather [hbm4b:s3+s8], $0x10, s8, s8, $0xb8;
	[tilespmem:$0x6C40] =	vst v63  }
0x17: {  	s28 =	simm.s32 $0x1040;
	s30 =	simm.s32 $0xA0  }
0x18: {  	[tilespmem:s28], [sflag:$0x1] =	stream.indirect.gather [hbm4b:s3+s8], $0x10, s30, s8, $0xb8;
	[tilespmem:$0x6C40] =	vst v63  }
0x19: {  	s30 =	simm.s32 $0xF0;
	s28 =	simm.s32 $0x1540  }
0x1a: {  	[tilespmem:s28], [sflag:$0x1] =	stream.indirect.gather [hbm4b:s3+s8], $0x10, s30, s8, $0xb8;
	[tilespmem:$0x6C40] =	vst v63  }
0x1b: {  	s30 =	simm.s32 $0x140;
	s28 =	simm.s32 $0x1A40  }
0x1c: {  	[tilespmem:s28], [sflag:$0x1] =	stream.indirect.gather [hbm4b:s3+s8], $0x10, s30, s8, $0xb8;
	[tilespmem:$0x6C40] =	vst v63  }
0x1d: {  	s30 =	simm.s32 $0x190;
	s28 =	simm.s32 $0x1F40  }
0x1e: {  	[tilespmem:s28], [sflag:$0x1] =	stream.indirect.gather [hbm4b:s3+s8], $0x10, s30, s8, $0xb8;
	[tilespmem:$0x6C40] =	vst v63  }
0x1f: {  	s30 =	simm.s32 $0x1E0;
	s28 =	simm.s32 $0x2440  }
0x20: {  	[tilespmem:s28], [sflag:$0x1] =	stream.indirect.gather [hbm4b:s3+s8], $0x10, s30, s8, $0xb8;
	[tilespmem:$0x6C40] =	vst v63  }
0x21: {  	s30 =	simm.s32 $0x230;
	s28 =	simm.s32 $0x2940  }
0x22: {  	[tilespmem:s28], [sflag:$0x1] =	stream.indirect.gather [hbm4b:s3+s8], $0x10, s30, s8, $0xb8;
	[tilespmem:$0x6C40] =	vst v63  }
0x23: {  	s30 =	simm.s32 $0x280;
	s28 =	simm.s32 $0x2E40  }
0x24: {  	[tilespmem:s28], [sflag:$0x1] =	stream.indirect.gather [hbm4b:s3+s8], $0x10, s30, s8, $0xb8;
	[tilespmem:$0x6C40] =	vst v63  }
0x25: {  	s30 =	simm.s32 $0x2D0;
	s28 =	simm.s32 $0x3340  }
0x26: {  	[tilespmem:s28], [sflag:$0x1] =	stream.indirect.gather [hbm4b:s3+s8], $0x10, s30, s8, $0xb8;
	[tilespmem:$0x6C40] =	vst v63  }
0x27: {  	s30 =	simm.s32 $0x320;
	s28 =	simm.s32 $0x3840  }
0x28: {  	[tilespmem:s28], [sflag:$0x1] =	stream.indirect.gather [hbm4b:s3+s8], $0x10, s30, s8, $0xb8;
	[tilespmem:$0x6C40] =	vst v63  }
0x29: {  	s30 =	simm.s32 $0x370  }
0x2a: {  	[tilespmem:s31], [sflag:$0x1] =	stream.indirect.gather [hbm4b:s3+s8], $0x10, s30, s8, $0xb8;
	[tilespmem:$0x6C40] =	vst v63  }
0x2b: {  	_ = 	snop  }
0x2c: {  	[tilespmem:s0], [sflag:$0x1] =	stream.indirect.gather [hbm4b:s3+s8], $0x10, s1, s8, $0xb8;
	[tilespmem:$0x6C40] =	vst v63  }
0x2d: {  	_ = 	snop  }
0x2e: {  	[tilespmem:s10], [sflag:$0x1] =	stream.indirect.gather [hbm4b:s3+s8], $0x10, s9, s8, $0xb8;
	[tilespmem:$0x6C40] =	vst v63  }
0x2f: {  	_ = 	snop  }
0x30: {  	[tilespmem:s12], [sflag:$0x1] =	stream.indirect.gather [hbm4b:s3+s8], $0x10, s11, s8, $0xb8;
	[tilespmem:$0x6C40] =	vst v63  }
0x31: {  	_ = 	snop  }
0x32: {  	[tilespmem:s14], [sflag:$0x1] =	stream.indirect.gather [hbm4b:s3+s8], $0x10, s13, s8, $0xb8;
	[tilespmem:$0x6C40] =	vst v63  }
0x33: {  	_ = 	snop  }
0x34: {  	[tilespmem:s16], [sflag:$0x1] =	stream.indirect.gather [hbm4b:s3+s8], $0x10, s15, s8, $0xb8;
	[tilespmem:$0x6C40] =	vst v63  }
0x35: {  	_ = 	snop  }
0x36: {  	[tilespmem:s18], [sflag:$0x1] =	stream.indirect.gather [hbm4b:s3+s8], $0x10, s17, s8, $0xb8;
	[tilespmem:$0x6C40] =	vst v63  }
0x37: {  	_ = 	snop  }
0x38: {  	[tilespmem:s20], [sflag:$0x1] =	stream.indirect.gather [hbm4b:s3+s8], $0x10, s19, s8, $0xb8;
	[tilespmem:$0x6C40] =	vst v63  }
0x39: {  	_ = 	snop  }
0x3a: {  	[tilespmem:s22], [sflag:$0x1] =	stream.indirect.gather [hbm4b:s3+s8], $0x10, s21, s8, $0xb8;
	[tilespmem:$0x6C40] =	vst v63  }
0x3b: {  	_ =	swait.ge [sflag:s23], $0x500  }
0x3c: {  	[sflag:s23] =	ssyncset.done $0x0  }
0x3d: {  	[sflag:s23] =	ssyncadd.s32 $0xFFFFFB00  }
0x3e: {  	_ =	swait.ge [sflag:s23], $0x500  }
0x3f: {  	[sflag:s23] =	ssyncset.done $0x0  }
0x40: {  	[sflag:s23] =	ssyncadd.s32 $0xFFFFFB00  }
0x41: {  	_ =	swait.ge [sflag:s23], $0x500  }
0x42: {  	[sflag:s23] =	ssyncset.done $0x0  }
0x43: {  	[sflag:s23] =	ssyncadd.s32 $0xFFFFFB00  }
0x44: {  	_ =	swait.ge [sflag:s23], $0x500  }
0x45: {  	[sflag:s23] =	ssyncset.done $0x0  }
0x46: {  	[sflag:s23] =	ssyncadd.s32 $0xFFFFFB00  }
0x47: {  	_ =	swait.ge [sflag:s23], $0x500  }
0x48: {  	[sflag:s23] =	ssyncset.done $0x0  }
0x49: {  	[sflag:s23] =	ssyncadd.s32 $0xFFFFFB00  }
0x4a: {  	_ =	swait.ge [sflag:s23], $0x500  }
0x4b: {  	[sflag:s23] =	ssyncset.done $0x0  }
0x4c: {  	[sflag:s23] =	ssyncadd.s32 $0xFFFFFB00  }
0x4d: {  	_ =	swait.ge [sflag:s23], $0x500  }
0x4e: {  	[sflag:s23] =	ssyncset.done $0x0  }
0x4f: {  	[sflag:s23] =	ssyncadd.s32 $0xFFFFFB00  }
0x50: {  	_ =	swait.ge [sflag:s23], $0x500  }
0x51: {  	[sflag:s23] =	ssyncset.done $0x0  }
0x52: {  	[sflag:s23] =	ssyncadd.s32 $0xFFFFFB00  }
0x53: {  	_ =	swait.ge [sflag:s23], $0x500  }
0x54: {  	[sflag:s23] =	ssyncset.done $0x0  }
0x55: {  	[sflag:s23] =	ssyncadd.s32 $0xFFFFFB00  }
0x56: {  	_ =	swait.ge [sflag:s23], $0x500  }
0x57: {  	[sflag:s23] =	ssyncset.done $0x0  }
0x58: {  	[sflag:s23] =	ssyncadd.s32 $0xFFFFFB00  }
0x59: {  	_ =	swait.ge [sflag:s23], $0x500  }
0x5a: {  	[sflag:s23] =	ssyncset.done $0x0  }
0x5b: {  	[sflag:s23] =	ssyncadd.s32 $0xFFFFFB00  }
0x5c: {  	_ =	swait.ge [sflag:s23], $0x500  }
0x5d: {  	[sflag:s23] =	ssyncset.done $0x0  }
0x5e: {  	[sflag:s23] =	ssyncadd.s32 $0xFFFFFB00  }
0x5f: {  	_ =	swait.ge [sflag:s23], $0x500  }
0x60: {  	[sflag:s23] =	ssyncset.done $0x0  }
0x61: {  	[sflag:s23] =	ssyncadd.s32 $0xFFFFFB00  }
0x62: {  	_ =	swait.ge [sflag:s23], $0x500  }
0x63: {  	[sflag:s23] =	ssyncset.done $0x0  }
0x64: {  	[sflag:s23] =	ssyncadd.s32 $0xFFFFFB00  }
0x65: {  	_ =	swait.ge [sflag:s23], $0x500  }
0x66: {  	[sflag:s23] =	ssyncset.done $0x0  }
0x67: {  	[sflag:s23] =	ssyncadd.s32 $0xFFFFFB00  }
0x68: {  	_ =	swait.ge [sflag:s23], $0x500  }
0x69: {  	[sflag:s23] =	ssyncset.done $0x0  }
0x6a: {  	[sflag:s23] =	ssyncadd.s32 $0xFFFFFB00  }
0x6b: {  	_ =	swait.ge [sflag:s23], $0x500  }
0x6c: {  	[sflag:s23] =	ssyncset.done $0x0  }
0x6d: {  	[sflag:s23] =	ssyncadd.s32 $0xFFFFFB00  }
0x6e: {  	_ =	swait.ge [sflag:s23], $0x500  }
0x6f: {  	[sflag:s23] =	ssyncset.done $0x0  }
0x70: {  	[sflag:s23] =	ssyncadd.s32 $0xFFFFFB00  }
0x71: {  	_ =	swait.ge [sflag:s23], $0x500  }
0x72: {  	[sflag:s23] =	ssyncset.done $0x0  }
0x73: {  	[sflag:s23] =	ssyncadd.s32 $0xFFFFFB00  }
0x74: {  	_ =	swait.ge [sflag:s23], $0x500  }
0x75: {  	[sflag:s23] =	ssyncset.done $0x0  }
0x76: {  	s28 =	simm.s32 $0x7D0;
	[sflag:s23] =	ssyncadd.s32 $0xFFFFFB00  }
0x77: {  	v0 =	vld [tilespmem:s28+$0xFFFFFE80]  }
0x78: {  	s29 =	simm.s32 $0x40;
	s26 =	simm.s32 $0x0;
	v1 =	vld [tilespmem:s28+$0xFFFFFE70]  }
.LBB2_2:
0x79: {  	p0 =	sne.s32 s29, $0x7C0  }
0x7a: {  	v2 =	vld [tilespmem:s28+$0xFFFFFE90];
	_ =	sdelay $0x1  }
0x7b: {  	v3 =	vld [tilespmem:s28+$0xFFFFFEA0]  }
0x7c: {  	v0 =	vadd.f32 v0, v1  }
0x7d: {  	v1 =	vld [tilespmem:s28+$0xFFFFFEB0]  }
0x7e: {  	v0 =	vadd.f32 v2, v0  }
0x7f: {  	v2 =	vld [tilespmem:s28+$0xFFFFFEC0]  }
0x80: {  	v0 =	vadd.f32 v3, v0  }
0x81: {  	v3 =	vld [tilespmem:s28+$0xFFFFFED0]  }
0x82: {  	v0 =	vadd.f32 v1, v0  }
0x83: {  	v1 =	vld [tilespmem:s28+$0xFFFFFEE0]  }
0x84: {  	v0 =	vadd.f32 v2, v0  }
0x85: {  	v2 =	vld [tilespmem:s28+$0xFFFFFEF0]  }
0x86: {  	v0 =	vadd.f32 v3, v0  }
0x87: {  	v3 =	vld [tilespmem:s28+$0xFFFFFF00]  }
0x88: {  	v0 =	vadd.f32 v1, v0  }
0x89: {  	v1 =	vld [tilespmem:s28+$0xFFFFFF10]  }
0x8a: {  	v0 =	vadd.f32 v2, v0  }
0x8b: {  	v2 =	vld [tilespmem:s28+$0xFFFFFF20]  }
0x8c: {  	v0 =	vadd.f32 v3, v0  }
0x8d: {  	v3 =	vld [tilespmem:s28+$0xFFFFFF30]  }
0x8e: {  	v0 =	vadd.f32 v1, v0  }
0x8f: {  	v1 =	vld [tilespmem:s28+$0xFFFFFF40]  }
0x90: {  	v0 =	vadd.f32 v2, v0  }
0x91: {  	v2 =	vld [tilespmem:s28+$0xFFFFFF50]  }
0x92: {  	v0 =	vadd.f32 v3, v0  }
0x93: {  	v3 =	vld [tilespmem:s28+$0xFFFFFF60]  }
0x94: {  	v0 =	vadd.f32 v1, v0  }
0x95: {  	v1 =	vld [tilespmem:s28+$0xFFFFFF70]  }
0x96: {  	v0 =	vadd.f32 v2, v0  }
0x97: {  	v2 =	vld [tilespmem:s28+$0xFFFFFF80]  }
0x98: {  	v0 =	vadd.f32 v3, v0  }
0x99: {  	v3 =	vld [tilespmem:s28+$0xFFFFFF90]  }
0x9a: {  	v0 =	vadd.f32 v1, v0  }
0x9b: {  	v1 =	vld [tilespmem:s28+$0xFFFFFFA0]  }
0x9c: {  	v0 =	vadd.f32 v2, v0  }
0x9d: {  	v2 =	vld [tilespmem:s28+$0xFFFFFFB0]  }
0x9e: {  	v0 =	vadd.f32 v3, v0  }
0x9f: {  	v3 =	vld [tilespmem:s28+$0xFFFFFFC0]  }
0xa0: {  	v0 =	vadd.f32 v1, v0  }
0xa1: {  	v1 =	vld [tilespmem:s28+$0xFFFFFFD0]  }
0xa2: {  	v0 =	vadd.f32 v2, v0  }
0xa3: {  	v2 =	vld [tilespmem:s28+$0xFFFFFFE0]  }
0xa4: {  	v0 =	vadd.f32 v3, v0  }
0xa5: {  	v3 =	vld [tilespmem:s28+$0xFFFFFFF0]  }
0xa6: {  	v0 =	vadd.f32 v1, v0  }
0xa7: {  	v1 =	vld [tilespmem:s28+$0x0]  }
0xa8: {  	v0 =	vadd.f32 v2, v0  }
0xa9: {  	v2 =	vld [tilespmem:s28+$0x10]  }
0xaa: {  	v0 =	vadd.f32 v3, v0  }
0xab: {  	v3 =	vld [tilespmem:s28+$0x20]  }
0xac: {  	v0 =	vadd.f32 v1, v0  }
0xad: {  	v1 =	vld [tilespmem:s28+$0x30]  }
0xae: {  	v0 =	vadd.f32 v2, v0  }
0xaf: {  	v2 =	vld [tilespmem:s28+$0x40]  }
0xb0: {  	v0 =	vadd.f32 v3, v0  }
0xb1: {  	v3 =	vld [tilespmem:s28+$0x50]  }
0xb2: {  	v0 =	vadd.f32 v1, v0  }
0xb3: {  	v1 =	vld [tilespmem:s28+$0x60]  }
0xb4: {  	v0 =	vadd.f32 v2, v0  }
0xb5: {  	v2 =	vld [tilespmem:s28+$0x70]  }
0xb6: {  	v0 =	vadd.f32 v3, v0  }
0xb7: {  	v3 =	vld [tilespmem:s28+$0x80]  }
0xb8: {  	v0 =	vadd.f32 v1, v0  }
0xb9: {  	v1 =	vld [tilespmem:s28+$0x90]  }
0xba: {  	v0 =	vadd.f32 v2, v0  }
0xbb: {  	v2 =	vld [tilespmem:s28+$0xA0]  }
0xbc: {  	v0 =	vadd.f32 v3, v0  }
0xbd: {  	v3 =	vld [tilespmem:s28+$0xB0]  }
0xbe: {  	v0 =	vadd.f32 v1, v0  }
0xbf: {  	v1 =	vld [tilespmem:s28+$0xC0]  }
0xc0: {  	v0 =	vadd.f32 v2, v0  }
0xc1: {  	v2 =	vld [tilespmem:s28+$0xD0]  }
0xc2: {  	v0 =	vadd.f32 v3, v0  }
0xc3: {  	v3 =	vld [tilespmem:s28+$0xE0]  }
0xc4: {  	v0 =	vadd.f32 v1, v0  }
0xc5: {  	v1 =	vld [tilespmem:s28+$0xF0]  }
0xc6: {  	v0 =	vadd.f32 v2, v0  }
0xc7: {  	v2 =	vld [tilespmem:s28+$0x100]  }
0xc8: {  	v0 =	vadd.f32 v3, v0  }
0xc9: {  	v3 =	vld [tilespmem:s28+$0x110]  }
0xca: {  	v0 =	vadd.f32 v1, v0  }
0xcb: {  	v1 =	vld [tilespmem:s28+$0x120]  }
0xcc: {  	v0 =	vadd.f32 v2, v0  }
0xcd: {  	v2 =	vld [tilespmem:s28+$0x130]  }
0xce: {  	v0 =	vadd.f32 v3, v0  }
0xcf: {  	v3 =	vld [tilespmem:s28+$0x140]  }
0xd0: {  	v0 =	vadd.f32 v1, v0  }
0xd1: {  	v1 =	vld [tilespmem:s28+$0x150]  }
0xd2: {  	v0 =	vadd.f32 v2, v0  }
0xd3: {  	v2 =	vld [tilespmem:s28+$0x160]  }
0xd4: {  	v0 =	vadd.f32 v3, v0  }
0xd5: {  	v3 =	vld [tilespmem:s28+$0x170]  }
0xd6: {  	v0 =	vadd.f32 v1, v0  }
0xd7: {  	v1 =	vld [tilespmem:s28+$0x180]  }
0xd8: {  	v0 =	vadd.f32 v2, v0;
	_ =	sdelay $0x1  }
0xd9: {  	v0 =	vadd.f32 v3, v0;
	_ =	sdelay $0x1  }
0xda: {  	v0 =	vadd.f32 v1, v0;
	_ =	sdelay $0x1  }
.Ltmp0:
0xdb: {  	v0 =	vmul.f32 $1.999999960e-02, v0;
	(pc) =	sbr.rel @p0 .LBB2_2-.Ltmp0, $4  }
0xdc: {  	s30 =	sshra.s32 s26, $0x2;
	s26 =	smov.u32 s29  }
0xdd: {  	s28 =	sadd.s32 $0x320, s28;
	[tilespmem:s30+$0x6A40] =	vst v0  }
0xde: {  	v0 =	vld [tilespmem:s28+$0xFFFFFE80]  }
0xdf: {  	s29 =	sadd.s32 $0x40, s29;
	v1 =	vld [tilespmem:s28+$0xFFFFFE70]  }
0xe0: {  	_ = 	snop  }
0xe1: {  	v2 =	vld [tilespmem:s28+$0xFFFFFE90];
	_ =	sdelay $0x1  }
0xe2: {  	v3 =	vld [tilespmem:s28+$0xFFFFFEA0]  }
0xe3: {  	v0 =	vadd.f32 v0, v1  }
0xe4: {  	v18 =	vld [tilespmem:s28+$0xFFFFFEB0]  }
0xe5: {  	v0 =	vadd.f32 v2, v0  }
0xe6: {  	v19 =	vld [tilespmem:s28+$0xFFFFFEC0]  }
0xe7: {  	v0 =	vadd.f32 v3, v0  }
0xe8: {  	v20 =	vld [tilespmem:s28+$0xFFFFFED0]  }
0xe9: {  	v0 =	vadd.f32 v18, v0  }
0xea: {  	v21 =	vld [tilespmem:s28+$0xFFFFFEE0]  }
0xeb: {  	v0 =	vadd.f32 v19, v0  }
0xec: {  	v22 =	vld [tilespmem:s28+$0xFFFFFEF0]  }
0xed: {  	v0 =	vadd.f32 v20, v0  }
0xee: {  	v23 =	vld [tilespmem:s28+$0xFFFFFF00]  }
0xef: {  	v0 =	vadd.f32 v21, v0  }
0xf0: {  	v24 =	vld [tilespmem:s28+$0xFFFFFF10]  }
0xf1: {  	v0 =	vadd.f32 v22, v0  }
0xf2: {  	v25 =	vld [tilespmem:s28+$0xFFFFFF20]  }
0xf3: {  	v0 =	vadd.f32 v23, v0  }
0xf4: {  	v26 =	vld [tilespmem:s28+$0xFFFFFF30]  }
0xf5: {  	v0 =	vadd.f32 v24, v0  }
0xf6: {  	v27 =	vld [tilespmem:s28+$0xFFFFFF40]  }
0xf7: {  	v0 =	vadd.f32 v25, v0  }
0xf8: {  	v28 =	vld [tilespmem:s28+$0xFFFFFF50]  }
0xf9: {  	v0 =	vadd.f32 v26, v0  }
0xfa: {  	v29 =	vld [tilespmem:s28+$0xFFFFFF60]  }
0xfb: {  	v0 =	vadd.f32 v27, v0  }
0xfc: {  	v30 =	vld [tilespmem:s28+$0xFFFFFF70]  }
0xfd: {  	v0 =	vadd.f32 v28, v0  }
0xfe: {  	v31 =	vld [tilespmem:s28+$0xFFFFFF80]  }
0xff: {  	v0 =	vadd.f32 v29, v0  }
0x100: {  	v32 =	vld [tilespmem:s28+$0xFFFFFF90]  }
0x101: {  	v0 =	vadd.f32 v30, v0  }
0x102: {  	v33 =	vld [tilespmem:s28+$0xFFFFFFA0]  }
0x103: {  	v0 =	vadd.f32 v31, v0  }
0x104: {  	v34 =	vld [tilespmem:s28+$0xFFFFFFB0]  }
0x105: {  	v0 =	vadd.f32 v32, v0  }
0x106: {  	v35 =	vld [tilespmem:s28+$0xFFFFFFC0]  }
0x107: {  	v0 =	vadd.f32 v33, v0  }
0x108: {  	v36 =	vld [tilespmem:s28+$0xFFFFFFD0]  }
0x109: {  	v0 =	vadd.f32 v34, v0  }
0x10a: {  	v37 =	vld [tilespmem:s28+$0xFFFFFFE0]  }
0x10b: {  	v0 =	vadd.f32 v35, v0  }
0x10c: {  	v38 =	vld [tilespmem:s28+$0xFFFFFFF0]  }
0x10d: {  	v0 =	vadd.f32 v36, v0  }
0x10e: {  	v39 =	vld [tilespmem:s28+$0x0]  }
0x10f: {  	v0 =	vadd.f32 v37, v0  }
0x110: {  	v40 =	vld [tilespmem:s28+$0x10]  }
0x111: {  	v0 =	vadd.f32 v38, v0  }
0x112: {  	v41 =	vld [tilespmem:s28+$0x20]  }
0x113: {  	v0 =	vadd.f32 v39, v0  }
0x114: {  	v42 =	vld [tilespmem:s28+$0x30]  }
0x115: {  	v0 =	vadd.f32 v40, v0  }
0x116: {  	v43 =	vld [tilespmem:s28+$0x40]  }
0x117: {  	v0 =	vadd.f32 v41, v0  }
0x118: {  	v44 =	vld [tilespmem:s28+$0x50]  }
0x119: {  	v0 =	vadd.f32 v42, v0  }
0x11a: {  	v45 =	vld [tilespmem:s28+$0x60]  }
0x11b: {  	v0 =	vadd.f32 v43, v0  }
0x11c: {  	v46 =	vld [tilespmem:s28+$0x70]  }
0x11d: {  	v0 =	vadd.f32 v44, v0  }
0x11e: {  	v47 =	vld [tilespmem:s28+$0x80]  }
0x11f: {  	v0 =	vadd.f32 v45, v0  }
0x120: {  	v48 =	vld [tilespmem:s28+$0x90]  }
0x121: {  	v0 =	vadd.f32 v46, v0  }
0x122: {  	v49 =	vld [tilespmem:s28+$0xA0]  }
0x123: {  	v0 =	vadd.f32 v47, v0  }
0x124: {  	v50 =	vld [tilespmem:s28+$0xB0]  }
0x125: {  	v0 =	vadd.f32 v48, v0  }
0x126: {  	v51 =	vld [tilespmem:s28+$0xC0]  }
0x127: {  	v0 =	vadd.f32 v49, v0  }
0x128: {  	v52 =	vld [tilespmem:s28+$0xD0]  }
0x129: {  	v0 =	vadd.f32 v50, v0  }
0x12a: {  	v53 =	vld [tilespmem:s28+$0xE0]  }
0x12b: {  	v0 =	vadd.f32 v51, v0  }
0x12c: {  	v54 =	vld [tilespmem:s28+$0xF0]  }
0x12d: {  	v0 =	vadd.f32 v52, v0  }
0x12e: {  	v55 =	vld [tilespmem:s28+$0x100]  }
0x12f: {  	v0 =	vadd.f32 v53, v0  }
0x130: {  	v56 =	vld [tilespmem:s28+$0x110]  }
0x131: {  	v0 =	vadd.f32 v54, v0  }
0x132: {  	v57 =	vld [tilespmem:s28+$0x120]  }
0x133: {  	v0 =	vadd.f32 v55, v0  }
0x134: {  	v58 =	vld [tilespmem:s28+$0x130]  }
0x135: {  	v0 =	vadd.f32 v56, v0  }
0x136: {  	v59 =	vld [tilespmem:s28+$0x140]  }
0x137: {  	v0 =	vadd.f32 v57, v0  }
0x138: {  	v60 =	vld [tilespmem:s28+$0x150]  }
0x139: {  	v0 =	vadd.f32 v58, v0  }
0x13a: {  	v61 =	vld [tilespmem:s28+$0x160]  }
0x13b: {  	v0 =	vadd.f32 v59, v0  }
0x13c: {  	v62 =	vld [tilespmem:s28+$0x170]  }
0x13d: {  	v0 =	vadd.f32 v60, v0  }
0x13e: {  	v63 =	vld [tilespmem:s28+$0x180]  }
0x13f: {  	v0 =	vadd.f32 v61, v0;
	_ =	sdelay $0x1  }
0x140: {  	v0 =	vadd.f32 v62, v0;
	_ =	sdelay $0x1  }
0x141: {  	v0 =	vadd.f32 v63, v0;
	_ =	sdelay $0x1  }
0x142: {  	s25 =	sadd.s32 $0x1, s25;
	v0 =	vmul.f32 $1.999999960e-02, v0  }
0x143: {  	s26 =	sshra.s32 s26, $0x2;
	p0 =	sne.s32 s25, s6  }
.Ltmp1:
0x144: {  	[tilespmem:s26+$0x6A40] =	vst v0;
	(pc) =	sbr.rel @p0 .LBB2_1-.Ltmp1, $4  }
0x145: {  	[hbm4b:s5+s2] =	stream.linear.scatter [tilespmem:s24], [sflag:$0x2], $0x200, $0x38;
	[tilespmem:$0x6C40] =	vst v63  }
0x146: {  	_ =	swait.ge [sflag:s7], $0x200  }
0x147: {  	[sflag:s7] =	ssyncset.done $0x0  }
0x148: {  	[sflag:s7] =	ssyncadd.s32 $0xFFFFFE00  }
0x149: {  	_ =	sfence.sel $0x180000  }
0x14a: {  	[bflag:$0x0] =	sbarrier.arrive $0xFFFF  }
0x14b: {  	_ =	strace $0x90000047  }
0x14c: {  	s0 =	stileid.u32;
	[bflag:$0x2] =	sbarrier.arrive $0xFFFF  }
0x14d: {  	p0 =	sne.s32 s0, $0x0;
	s0 =	rddreg [dreg:$0x2]  }
0x14e: {  	s0 =	sadd.s32 @!p0 $0x100000, s0  }
0x14f: {  	[sflag:s0] =	ssyncadd.tile.s32 @!p0 $0x1;
	_ =	shalt  }
.Lfunc_end2:
_tile_overlayer_lowered:
.L_overlay_start_2:
0x150: {  	(tag) =	ssettag $0x2  }
0x151: {  	s0 =	rddreg [dreg:$0x0];
	s2 =	stileid.u32  }
0x152: {  	s1 =	rddreg [dreg:$0x1];
	p0 =	sne.s32 s2, $0x0  }
0x153: {  	s3 =	rddreg [dreg:$0x2];
	[bflag:$0x3] =	sbarrier.arrive $0xFFFF;
	s2 =	simm.s32 @!p0 $0x1C02  }
0x154: {  	[timem:s3], [sflag:s2] =	dma.local @!p0 [hbm:s0], s1  }
0x155: {  	s0 =	simm.s32 @!p0 $0x2  }
0x156: {  	_ =	swait.ge @!p0 [sflag:s0], s1  }
0x157: {  	s1 =	ssub.s32 @!p0 $0x0, s1;
	[sflag:s0] =	ssyncset.done @!p0 $0x0  }
0x158: {  	[sflag:s0] =	ssyncadd.s32 @!p0 s1  }
0x159: {  	[bflag:$0x3] =	sbarrier.arrive $0xFFFF  }
0x15a: {  	_ =	shalt  }

</sc_bundles>
